<compile_context>
chip_gen: v7x
topology: tpu7x:2x2x1
jax: 0.10.2.dev20260603
libtpu: 0.0.44.dev20260713+nightly
codegen_flags: <defaults>
</compile_context>

<pallas_src>
import dataclasses

import jax
import jax.numpy as jnp
from jax import lax
from jax.experimental import pallas as pl
from jax.experimental.pallas import tpu as pltpu
from jax.experimental.pallas import tpu_sc as plsc


def _sc_compiler_params():
    cp = pltpu.CompilerParams(use_tc_tiling_on_sc=False)
    if "needs_layout_passes" in pltpu.CompilerParams.__dataclass_fields__:
        cp = dataclasses.replace(cp, needs_layout_passes=False)
    return cp


_V = 100000
_E = 32
_L = 16
_C = 8192


def kernel(idx, directions):
    b, s = idx.shape
    assert directions.shape == (_V, _E)
    assert b % _C == 0
    nq = b // _C
    nt = s * nq

    table_flat = directions.T.reshape(_V * _E)
    idx_flat = idx.T.reshape(b * s)

    mesh = plsc.VectorSubcoreMesh(core_axis_name="core", subcore_axis_name="subcore")

    @pl.kernel(out_type=jax.ShapeDtypeStruct((s, _E // 8, b // 128, 1024),
                                             directions.dtype),
               mesh=mesh,
               scratch_types=[
                   pltpu.VMEM((_V,), jnp.float32),
                   pltpu.VMEM((_C,), jnp.int32),
                   pltpu.VMEM((2, 64, 128), jnp.float32),
                   pltpu.VMEM_SHARED((2, _C), jnp.int32),
                   pltpu.SemaphoreType.DMA,
                   pltpu.SemaphoreType.DMA,
                   pltpu.SemaphoreType.DMA,
               ],
               compiler_params=_sc_compiler_params())
    def gather_kernel(table_hbm, idx_hbm, out_hbm, row_v, idx_v, out_v,
                      idx_sp, psem, osem0, osem1):
        sub = lax.axis_index("subcore")
        e = lax.axis_index("core") * 16 + sub
        e_hi = e // 8
        e_lo = e % 8
        pltpu.sync_copy(table_hbm.at[pl.ds(e * _V, _V)], row_v)

        @pl.when(sub == 0)
        def _():
            pltpu.async_copy(idx_hbm.at[pl.ds(0, _C)], idx_sp.at[0], psem).wait()

        plsc.subcore_barrier()

        def step(t, par):
            nxt = jnp.minimum(t + 1, nt - 1)

            @pl.when(sub == 0)
            def _():
                pltpu.async_copy(idx_hbm.at[pl.ds(nxt * _C, _C)],
                                 idx_sp.at[1 - par], psem)

            pltpu.sync_copy(idx_sp.at[par], idx_v)

            osem = osem0 if par == 0 else osem1

            @pl.when(t >= 2)
            def _():
                pltpu.make_async_copy(
                    out_hbm.at[0, 0, pl.ds(0, 64), pl.ds(0, 128)],
                    out_v.at[par], osem).wait()

            @plsc.parallel_loop(0, _C, step=_L, unroll=16)
            def _(c):
                ids = idx_v[pl.ds(c, _L)]
                out_v[par, c // 128, pl.ds(c % 128, _L)] = \
                    plsc.load_gather(row_v, [ids])

            si = t // nq
            q = t % nq
            pltpu.async_copy(
                out_v.at[par],
                out_hbm.at[si, e_hi, pl.ds(q * 64, 64), pl.ds(e_lo * 128, 128)],
                osem)

            @pl.when(sub == 0)
            def _():
                pltpu.make_async_copy(idx_hbm.at[pl.ds(nxt * _C, _C)],
                                      idx_sp.at[1 - par], psem).wait()

            plsc.subcore_barrier()

        @pl.loop(0, nt, step=2)
        def _(t0):
            step(t0, 0)
            step(t0 + 1, 1)

        pltpu.make_async_copy(out_hbm.at[0, 0, pl.ds(0, 64), pl.ds(0, 128)],
                              out_v.at[0], osem0).wait()
        pltpu.make_async_copy(out_hbm.at[0, 0, pl.ds(0, 64), pl.ds(0, 128)],
                              out_v.at[1], osem1).wait()

    out5 = gather_kernel(table_flat, idx_flat)
    return (out5.reshape(s, _E // 8, b // 128, 8, 128)
            .transpose(2, 4, 0, 1, 3)
            .reshape(b, s, _E))

# --- scband reference (transcript-rebuilt; emitter-appended) ---
"""Pipeline reference for scband-learnable-directional-encoding-19602230739480 (READ-ONLY COPY).

The authoritative reference and input builder live on the scoring server;
editing this copy changes nothing except your own understanding.
"""

import jax, jax.numpy as jnp
import numpy as np

NUM_DIRECTIONS = 100000
ENCODING_DIM = 32

def setup_inputs(seed: int = 0) -> dict:
    key = jax.random.key(seed)
    k_idx, k_dir = jax.random.split(key)
    idx = jax.random.randint(k_idx, (16384, 50), 0, NUM_DIRECTIONS, dtype=jnp.int64 if jax.config.jax_enable_x64 else jnp.int32)
    # The torch module initializes directions to zeros; use small random values so the
    # output is non-trivial while staying faithful to the parameter shape.
    directions = jax.random.normal(k_dir, (NUM_DIRECTIONS, ENCODING_DIM), dtype=jnp.float32) * 0.02
    return {"idx": idx, "directions": directions}

def reference(idx, directions):
    # Faithful translation of: return self.directions[idx]
    return jnp.take(directions, idx, axis=0)

if __name__ == "__main__":
    import jax
    _d = setup_inputs()
    print(jax.jit(kernel)(*tuple(_d.values())))

</pallas_src>

<mosaic_0001>
#map = affine_map<(d0, d1) -> (0)>
#map1 = affine_map<(d0, d1) -> (0, 0, 0, 0)>
module attributes {stable_mosaic.version = 14 : i64} {
  func.func @gather_kernel(%arg0: i32, %arg1: i32, %arg2: memref<3200000xf32, #tpu.memory_space<hbm>>, %arg3: memref<819200xi32, #tpu.memory_space<hbm>>, %arg4: memref<50x4x128x1024xf32, #tpu.memory_space<hbm>>, %arg5: memref<100000xf32, #tpu.memory_space<vmem>>, %arg6: memref<8192xi32, #tpu.memory_space<vmem>>, %arg7: memref<2x64x128xf32, #tpu.memory_space<vmem>>, %arg8: memref<2x8192xi32, #tpu.memory_space<vmem_shared>>, %arg9: memref<!tpu.dma_semaphore, #tpu.memory_space<semaphore_mem>>, %arg10: memref<!tpu.dma_semaphore, #tpu.memory_space<semaphore_mem>>, %arg11: memref<!tpu.dma_semaphore, #tpu.memory_space<semaphore_mem>>) attributes {dimension_semantics = [#tpu.dimension_semantics<core_parallel>, #tpu.dimension_semantics<subcore_parallel>], iteration_bounds = array<i64: 2, 16>, scalar_prefetch = 0 : i64, scratch_operands = 7 : i64, tpu.core_type = #tpu.core_type<sc_vector_subcore>, window_params = [{transform_indices = #map}, {transform_indices = #map}, {transform_indices = #map1}]} {
    %mul3A = arith.constant 16 : i32
    %mul3A_0 = arith.muli %arg0, %mul3A : i32
    %add3A = arith.addi %mul3A_0, %arg1 : i32
    %jit3A = arith.constant 8 : i32
    %div3A = arith.divsi %add3A, %jit3A : i32
    %sign3A = arith.constant 0 : i32
    %sign3A_1 = arith.cmpi sgt, %add3A, %sign3A : i32
    %sign3A_2 = arith.extui %sign3A_1 : i1 to i32
    %sign3A_3 = arith.constant 0 : i32
    %sign3A_4 = arith.cmpi slt, %add3A, %sign3A_3 : i32
    %sign3A_5 = arith.extui %sign3A_4 : i1 to i32
    %sign3A_6 = arith.subi %sign3A_2, %sign3A_5 : i32
    %sign3A_7 = arith.constant 0 : i32
    %sign3A_8 = arith.cmpi sgt, %jit3A, %sign3A_7 : i32
    %sign3A_9 = arith.extui %sign3A_8 : i1 to i32
    %sign3A_10 = arith.constant 0 : i32
    %sign3A_11 = arith.cmpi slt, %jit3A, %sign3A_10 : i32
    %sign3A_12 = arith.extui %sign3A_11 : i1 to i32
    %sign3A_13 = arith.subi %sign3A_9, %sign3A_12 : i32
    %ne3A = arith.cmpi ne, %sign3A_6, %sign3A_13 : i32
    %rem3A = arith.remsi %add3A, %jit3A : i32
    %ne3A_14 = arith.constant 0 : i32
    %ne3A_15 = arith.cmpi ne, %rem3A, %ne3A_14 : i32
    %and3A = arith.andi %ne3A, %ne3A_15 : i1
    %sub3A = arith.constant 1 : i32
    %sub3A_16 = arith.subi %div3A, %sub3A : i32
    %select_n3A = arith.select %and3A, %sub3A_16, %div3A : i32
    %jit3A_17 = arith.constant 8 : i32
    %eq3A = arith.constant 0 : i32
    %eq3A_18 = arith.cmpi eq, %jit3A_17, %eq3A : i32
    %jit3A_19 = arith.constant 1 : i32
    %select_n3A_20 = arith.select %eq3A_18, %jit3A_19, %jit3A_17 : i32
    %rem3A_21 = arith.remsi %add3A, %select_n3A_20 : i32
    %ne3A_22 = arith.constant 0 : i32
    %ne3A_23 = arith.cmpi ne, %rem3A_21, %ne3A_22 : i32
    %lt3A = arith.constant 0 : i32
    %lt3A_24 = arith.cmpi slt, %rem3A_21, %lt3A : i32
    %lt3A_25 = arith.constant 0 : i32
    %lt3A_26 = arith.cmpi slt, %select_n3A_20, %lt3A_25 : i32
    %ne3A_27 = arith.xori %lt3A_24, %lt3A_26 : i1
    %and3A_28 = arith.andi %ne3A_27, %ne3A_23 : i1
    %add3A_29 = arith.addi %rem3A_21, %select_n3A_20 : i32
    %select_n3A_30 = arith.select %and3A_28, %add3A_29, %rem3A_21 : i32
    %mul3A_31 = arith.constant 100000 : i32
    %mul3A_32 = arith.muli %add3A, %mul3A_31 : i32
    "tpu.region"() ({
      %run_scoped3A = tpu.sem_alloc : memref<!tpu.dma_semaphore, #tpu.memory_space<semaphore_mem>>
      %dma_start3A = tpu.memref_slice %arg2[%mul3A_32] : memref<3200000xf32, #tpu.memory_space<hbm>> -> memref<100000xf32, #tpu.memory_space<hbm>>
      %dma_start3A_77 = tpu.memref_slice %arg2[%mul3A_32] : memref<3200000xf32, #tpu.memory_space<hbm>> -> memref<100000xf32, #tpu.memory_space<hbm>>
      tpu.enqueue_dma source(%dma_start3A_77 : memref<100000xf32, #tpu.memory_space<hbm>>) target(%arg5 : memref<100000xf32, #tpu.memory_space<vmem>>) target_semaphore(%run_scoped3A : memref<!tpu.dma_semaphore, #tpu.memory_space<semaphore_mem>>)
      %dma_wait3A_78 = tpu.memref_slice %arg2[%mul3A_32] : memref<3200000xf32, #tpu.memory_space<hbm>> -> memref<100000xf32, #tpu.memory_space<hbm>>
      %dma_wait3A_79 = tpu.memref_slice %arg2[%mul3A_32] : memref<3200000xf32, #tpu.memory_space<hbm>> -> memref<100000xf32, #tpu.memory_space<hbm>>
      tpu.wait_dma2 semaphore(%run_scoped3A : memref<!tpu.dma_semaphore, #tpu.memory_space<semaphore_mem>>) src(%dma_wait3A_79 : memref<100000xf32, #tpu.memory_space<hbm>>) dst(%arg5 : memref<100000xf32, #tpu.memory_space<vmem>>)
      tpu.yield
    }) : () -> ()
    %eq3A_33 = arith.constant 0 : i32
    %eq3A_34 = arith.cmpi eq, %arg1, %eq3A_33 : i32
    %convert_element_type3A = arith.extui %eq3A_34 : i1 to i32
    %cond3A = arith.constant 0 : i32
    %cond3A_35 = arith.cmpi ne, %convert_element_type3A, %cond3A : i32
    scf.if %cond3A_35 {
      %dma_start3A = arith.constant 0 : i32
      %dma_start3A_77 = arith.constant 0 : i32
      %dma_start3A_78 = tpu.memref_slice %arg8[%dma_start3A, %dma_start3A_77] : memref<2x8192xi32, #tpu.memory_space<vmem_shared>> -> memref<1x8192xi32, #tpu.memory_space<vmem_shared>>
      %dma_start3A_79 = tpu.memref_squeeze %dma_start3A_78 : memref<1x8192xi32, #tpu.memory_space<vmem_shared>> -> memref<8192xi32, #tpu.memory_space<vmem_shared>>
      %dma_start3A_80 = arith.constant 0 : i32
      %dma_start3A_81 = tpu.memref_slice %arg3[%dma_start3A_80] : memref<819200xi32, #tpu.memory_space<hbm>> -> memref<8192xi32, #tpu.memory_space<hbm>>
      tpu.enqueue_dma source(%dma_start3A_81 : memref<8192xi32, #tpu.memory_space<hbm>>) target(%dma_start3A_79 : memref<8192xi32, #tpu.memory_space<vmem_shared>>) target_semaphore(%arg9 : memref<!tpu.dma_semaphore, #tpu.memory_space<semaphore_mem>>)
      %dma_wait3A_82 = arith.constant 0 : i32
      %dma_wait3A_83 = arith.constant 0 : i32
      %dma_wait3A_84 = tpu.memref_slice %arg8[%dma_wait3A_82, %dma_wait3A_83] : memref<2x8192xi32, #tpu.memory_space<vmem_shared>> -> memref<1x8192xi32, #tpu.memory_space<vmem_shared>>
      %dma_wait3A_85 = tpu.memref_squeeze %dma_wait3A_84 : memref<1x8192xi32, #tpu.memory_space<vmem_shared>> -> memref<8192xi32, #tpu.memory_space<vmem_shared>>
      %dma_wait3A_86 = arith.constant 0 : i32
      %dma_wait3A_87 = tpu.memref_slice %arg3[%dma_wait3A_86] : memref<819200xi32, #tpu.memory_space<hbm>> -> memref<8192xi32, #tpu.memory_space<hbm>>
      tpu.wait_dma2 semaphore(%arg9 : memref<!tpu.dma_semaphore, #tpu.memory_space<semaphore_mem>>) src(%dma_wait3A_87 : memref<8192xi32, #tpu.memory_space<hbm>>) dst(%dma_wait3A_85 : memref<8192xi32, #tpu.memory_space<vmem_shared>>)
    } else {
    }
    %barrier3A = arith.constant 0 : index
    tpu.barrier barrier_id(%barrier3A)
    %scan3A = arith.constant 0 : i32
    %scan3A_36 = arith.constant 50 : i32
    %scan3A_37 = arith.addi %scan3A, %scan3A_36 : i32
    %scan3A_38 = arith.constant 1 : i32
    scf.for %scan3A_77 = %scan3A to %scan3A_37 step %scan3A_38  : i32 {
      %mul3A_78 = arith.constant 2 : i32
      %mul3A_79 = arith.muli %scan3A_77, %mul3A_78 : i32
      %add3A_80 = arith.constant 0 : i32
      %add3A_81 = arith.addi %add3A_80, %mul3A_79 : i32
      %add3A_82 = arith.constant 1 : i32
      %add3A_83 = arith.addi %add3A_81, %add3A_82 : i32
      %min3A = arith.constant 99 : i32
      %min3A_84 = arith.minsi %add3A_83, %min3A : i32
      %eq3A_85 = arith.constant 0 : i32
      %eq3A_86 = arith.cmpi eq, %arg1, %eq3A_85 : i32
      %convert_element_type3A_87 = arith.extui %eq3A_86 : i1 to i32
      %cond3A_88 = arith.constant 0 : i32
      %cond3A_89 = arith.cmpi ne, %convert_element_type3A_87, %cond3A_88 : i32
      scf.if %cond3A_89 {
        %mul3A_241 = arith.constant 8192 : i32
        %mul3A_242 = arith.muli %min3A_84, %mul3A_241 : i32
        %dma_start3A_243 = arith.constant 1 : i32
        %dma_start3A_244 = arith.constant 0 : i32
        %dma_start3A_245 = tpu.memref_slice %arg8[%dma_start3A_243, %dma_start3A_244] : memref<2x8192xi32, #tpu.memory_space<vmem_shared>> -> memref<1x8192xi32, #tpu.memory_space<vmem_shared>>
        %dma_start3A_246 = tpu.memref_squeeze %dma_start3A_245 : memref<1x8192xi32, #tpu.memory_space<vmem_shared>> -> memref<8192xi32, #tpu.memory_space<vmem_shared>>
        %dma_start3A_247 = tpu.memref_slice %arg3[%mul3A_242] : memref<819200xi32, #tpu.memory_space<hbm>> -> memref<8192xi32, #tpu.memory_space<hbm>>
        tpu.enqueue_dma source(%dma_start3A_247 : memref<8192xi32, #tpu.memory_space<hbm>>) target(%dma_start3A_246 : memref<8192xi32, #tpu.memory_space<vmem_shared>>) target_semaphore(%arg9 : memref<!tpu.dma_semaphore, #tpu.memory_space<semaphore_mem>>)
      } else {
      }
      %run_scoped3A = arith.constant 0 : i32
      "tpu.region"() ({
        %run_scoped3A_241 = tpu.sem_alloc : memref<!tpu.dma_semaphore, #tpu.memory_space<semaphore_mem>>
        %dma_start3A_242 = arith.constant 0 : i32
        %dma_start3A_243 = tpu.memref_slice %arg8[%run_scoped3A, %dma_start3A_242] : memref<2x8192xi32, #tpu.memory_space<vmem_shared>> -> memref<1x8192xi32, #tpu.memory_space<vmem_shared>>
        %dma_start3A_244 = tpu.memref_squeeze %dma_start3A_243 : memref<1x8192xi32, #tpu.memory_space<vmem_shared>> -> memref<8192xi32, #tpu.memory_space<vmem_shared>>
        %dma_start3A_245 = arith.constant 0 : i32
        %dma_start3A_246 = tpu.memref_slice %arg8[%run_scoped3A, %dma_start3A_245] : memref<2x8192xi32, #tpu.memory_space<vmem_shared>> -> memref<1x8192xi32, #tpu.memory_space<vmem_shared>>
        %dma_start3A_247 = tpu.memref_squeeze %dma_start3A_246 : memref<1x8192xi32, #tpu.memory_space<vmem_shared>> -> memref<8192xi32, #tpu.memory_space<vmem_shared>>
        tpu.enqueue_dma source(%dma_start3A_247 : memref<8192xi32, #tpu.memory_space<vmem_shared>>) target(%arg6 : memref<8192xi32, #tpu.memory_space<vmem>>) target_semaphore(%run_scoped3A_241 : memref<!tpu.dma_semaphore, #tpu.memory_space<semaphore_mem>>)
        %dma_wait3A_248 = arith.constant 0 : i32
        %dma_wait3A_249 = tpu.memref_slice %arg8[%run_scoped3A, %dma_wait3A_248] : memref<2x8192xi32, #tpu.memory_space<vmem_shared>> -> memref<1x8192xi32, #tpu.memory_space<vmem_shared>>
        %dma_wait3A_250 = tpu.memref_squeeze %dma_wait3A_249 : memref<1x8192xi32, #tpu.memory_space<vmem_shared>> -> memref<8192xi32, #tpu.memory_space<vmem_shared>>
        %dma_wait3A_251 = arith.constant 0 : i32
        %dma_wait3A_252 = tpu.memref_slice %arg8[%run_scoped3A, %dma_wait3A_251] : memref<2x8192xi32, #tpu.memory_space<vmem_shared>> -> memref<1x8192xi32, #tpu.memory_space<vmem_shared>>
        %dma_wait3A_253 = tpu.memref_squeeze %dma_wait3A_252 : memref<1x8192xi32, #tpu.memory_space<vmem_shared>> -> memref<8192xi32, #tpu.memory_space<vmem_shared>>
        tpu.wait_dma2 semaphore(%run_scoped3A_241 : memref<!tpu.dma_semaphore, #tpu.memory_space<semaphore_mem>>) src(%dma_wait3A_253 : memref<8192xi32, #tpu.memory_space<vmem_shared>>) dst(%arg6 : memref<8192xi32, #tpu.memory_space<vmem>>)
        tpu.yield
      }) : () -> ()
      %ge3A = arith.constant 2 : i32
      %ge3A_90 = arith.cmpi sge, %add3A_81, %ge3A : i32
      %convert_element_type3A_91 = arith.extui %ge3A_90 : i1 to i32
      %cond3A_92 = arith.constant 0 : i32
      %cond3A_93 = arith.cmpi ne, %convert_element_type3A_91, %cond3A_92 : i32
      scf.if %cond3A_93 {
        %dma_wait3A_241 = arith.constant 0 : i32
        %dma_wait3A_242 = arith.constant 0 : i32
        %dma_wait3A_243 = arith.constant 0 : i32
        %dma_wait3A_244 = arith.constant 0 : i32
        %dma_wait3A_245 = arith.constant 0 : i32
        %dma_wait3A_246 = tpu.memref_slice %arg7[%dma_wait3A_243, %dma_wait3A_244, %dma_wait3A_245] : memref<2x64x128xf32, #tpu.memory_space<vmem>> -> memref<1x64x128xf32, #tpu.memory_space<vmem>>
        %dma_wait3A_247 = tpu.memref_squeeze %dma_wait3A_246 : memref<1x64x128xf32, #tpu.memory_space<vmem>> -> memref<64x128xf32, #tpu.memory_space<vmem>>
        %dma_wait3A_248 = arith.constant 0 : i32
        %dma_wait3A_249 = arith.constant 0 : i32
        %dma_wait3A_250 = tpu.memref_slice %arg4[%dma_wait3A_241, %dma_wait3A_242, %dma_wait3A_248, %dma_wait3A_249] : memref<50x4x128x1024xf32, #tpu.memory_space<hbm>> -> memref<1x1x64x128xf32, #tpu.memory_space<hbm>>
        %dma_wait3A_251 = tpu.memref_squeeze %dma_wait3A_250 : memref<1x1x64x128xf32, #tpu.memory_space<hbm>> -> memref<64x128xf32, #tpu.memory_space<hbm>>
        %dma_wait3A_252 = arith.constant 0 : i32
        %dma_wait3A_253 = arith.constant 0 : i32
        %dma_wait3A_254 = tpu.memref_slice %arg7[%dma_wait3A_243, %dma_wait3A_252, %dma_wait3A_253] : memref<2x64x128xf32, #tpu.memory_space<vmem>> -> memref<1x64x128xf32, #tpu.memory_space<vmem>>
        %dma_wait3A_255 = tpu.memref_squeeze %dma_wait3A_254 : memref<1x64x128xf32, #tpu.memory_space<vmem>> -> memref<64x128xf32, #tpu.memory_space<vmem>>
        %dma_wait3A_256 = arith.constant 0 : i32
        %dma_wait3A_257 = arith.constant 0 : i32
        %dma_wait3A_258 = tpu.memref_slice %arg4[%dma_wait3A_241, %dma_wait3A_242, %dma_wait3A_256, %dma_wait3A_257] : memref<50x4x128x1024xf32, #tpu.memory_space<hbm>> -> memref<1x1x64x128xf32, #tpu.memory_space<hbm>>
        %dma_wait3A_259 = tpu.memref_squeeze %dma_wait3A_258 : memref<1x1x64x128xf32, #tpu.memory_space<hbm>> -> memref<64x128xf32, #tpu.memory_space<hbm>>
        tpu.wait_dma2 semaphore(%arg10 : memref<!tpu.dma_semaphore, #tpu.memory_space<semaphore_mem>>) src(%dma_wait3A_259 : memref<64x128xf32, #tpu.memory_space<hbm>>) dst(%dma_wait3A_255 : memref<64x128xf32, #tpu.memory_space<vmem>>)
      } else {
      }
      %parallel_loop3A = arith.constant 0 : i32
      %parallel_loop3A_94 = arith.constant 8192 : i32
      %parallel_loop3A_95 = arith.constant 16 : i32
      scf.for %parallel_loop3A_241 = %parallel_loop3A to %parallel_loop3A_94 step %parallel_loop3A_95  : i32 {
        %parallel_loop3A_242 = arith.index_cast %parallel_loop3A_241 : i32 to index
        %parallel_loop3A_243 = tpu.vector_load %arg6[%parallel_loop3A_242] {strides = array<i32>} : memref<8192xi32, #tpu.memory_space<vmem>>, vector<16xi32>,
        %parallel_loop3A_244 = tpu.vector_load_idx %arg5[%parallel_loop3A_243] : memref<100000xf32, #tpu.memory_space<vmem>>[vector<16xi32>], vector<16xf32>,
        %parallel_loop3A_245 = arith.constant 128 : i32
        %parallel_loop3A_246 = arith.divsi %parallel_loop3A_241, %parallel_loop3A_245 : i32
        %parallel_loop3A_247 = arith.constant 0 : i32
        %parallel_loop3A_248 = arith.cmpi sgt, %parallel_loop3A_241, %parallel_loop3A_247 : i32
        %parallel_loop3A_249 = arith.extui %parallel_loop3A_248 : i1 to i32
        %parallel_loop3A_250 = arith.constant 0 : i32
        %parallel_loop3A_251 = arith.cmpi slt, %parallel_loop3A_241, %parallel_loop3A_250 : i32
        %parallel_loop3A_252 = arith.extui %parallel_loop3A_251 : i1 to i32
        %parallel_loop3A_253 = arith.subi %parallel_loop3A_249, %parallel_loop3A_252 : i32
        %parallel_loop3A_254 = arith.constant 0 : i32
        %parallel_loop3A_255 = arith.cmpi sgt, %parallel_loop3A_245, %parallel_loop3A_254 : i32
        %parallel_loop3A_256 = arith.extui %parallel_loop3A_255 : i1 to i32
        %parallel_loop3A_257 = arith.constant 0 : i32
        %parallel_loop3A_258 = arith.cmpi slt, %parallel_loop3A_245, %parallel_loop3A_257 : i32
        %parallel_loop3A_259 = arith.extui %parallel_loop3A_258 : i1 to i32
        %parallel_loop3A_260 = arith.subi %parallel_loop3A_256, %parallel_loop3A_259 : i32
        %parallel_loop3A_261 = arith.cmpi ne, %parallel_loop3A_253, %parallel_loop3A_260 : i32
        %parallel_loop3A_262 = arith.remsi %parallel_loop3A_241, %parallel_loop3A_245 : i32
        %parallel_loop3A_263 = arith.constant 0 : i32
        %parallel_loop3A_264 = arith.cmpi ne, %parallel_loop3A_262, %parallel_loop3A_263 : i32
        %parallel_loop3A_265 = arith.andi %parallel_loop3A_261, %parallel_loop3A_264 : i1
        %parallel_loop3A_266 = arith.constant 1 : i32
        %parallel_loop3A_267 = arith.subi %parallel_loop3A_246, %parallel_loop3A_266 : i32
        %parallel_loop3A_268 = arith.select %parallel_loop3A_265, %parallel_loop3A_267, %parallel_loop3A_246 : i32
        %parallel_loop3A_269 = arith.constant 128 : i32
        %parallel_loop3A_270 = arith.constant 0 : i32
        %parallel_loop3A_271 = arith.cmpi eq, %parallel_loop3A_269, %parallel_loop3A_270 : i32
        %parallel_loop3A_272 = arith.constant 1 : i32
        %parallel_loop3A_273 = arith.select %parallel_loop3A_271, %parallel_loop3A_272, %parallel_loop3A_269 : i32
        %parallel_loop3A_274 = arith.remsi %parallel_loop3A_241, %parallel_loop3A_273 : i32
        %parallel_loop3A_275 = arith.constant 0 : i32
        %parallel_loop3A_276 = arith.cmpi ne, %parallel_loop3A_274, %parallel_loop3A_275 : i32
        %parallel_loop3A_277 = arith.constant 0 : i32
        %parallel_loop3A_278 = arith.cmpi slt, %parallel_loop3A_274, %parallel_loop3A_277 : i32
        %parallel_loop3A_279 = arith.constant 0 : i32
        %parallel_loop3A_280 = arith.cmpi slt, %parallel_loop3A_273, %parallel_loop3A_279 : i32
        %parallel_loop3A_281 = arith.xori %parallel_loop3A_278, %parallel_loop3A_280 : i1
        %parallel_loop3A_282 = arith.andi %parallel_loop3A_281, %parallel_loop3A_276 : i1
        %parallel_loop3A_283 = arith.addi %parallel_loop3A_274, %parallel_loop3A_273 : i32
        %parallel_loop3A_284 = arith.select %parallel_loop3A_282, %parallel_loop3A_283, %parallel_loop3A_274 : i32
        %parallel_loop3A_285 = arith.constant 0 : i32
        %parallel_loop3A_286 = arith.index_cast %parallel_loop3A_285 : i32 to index
        %parallel_loop3A_287 = arith.index_cast %parallel_loop3A_268 : i32 to index
        %parallel_loop3A_288 = arith.index_cast %parallel_loop3A_284 : i32 to index
        %parallel_loop3A_289 = tpu.vector_load %arg7[%parallel_loop3A_286, %parallel_loop3A_287, %parallel_loop3A_288] {strides = array<i32>} : memref<2x64x128xf32, #tpu.memory_space<vmem>>, vector<16xf32>,
        tpu.vector_store %arg7[%parallel_loop3A_286, %parallel_loop3A_287, %parallel_loop3A_288], %parallel_loop3A_244 {strides = array<i32>} : memref<2x64x128xf32, #tpu.memory_space<vmem>>, vector<16xf32>,
      } {sc.loop_unroll_factor = 16 : i64, sc.parallel_access}
      %jit3A_96 = arith.constant 2 : i32
      %div3A_97 = arith.divsi %add3A_81, %jit3A_96 : i32
      %sign3A_98 = arith.constant 0 : i32
      %sign3A_99 = arith.cmpi sgt, %add3A_81, %sign3A_98 : i32
      %sign3A_100 = arith.extui %sign3A_99 : i1 to i32
      %sign3A_101 = arith.constant 0 : i32
      %sign3A_102 = arith.cmpi slt, %add3A_81, %sign3A_101 : i32
      %sign3A_103 = arith.extui %sign3A_102 : i1 to i32
      %sign3A_104 = arith.subi %sign3A_100, %sign3A_103 : i32
      %sign3A_105 = arith.constant 0 : i32
      %sign3A_106 = arith.cmpi sgt, %jit3A_96, %sign3A_105 : i32
      %sign3A_107 = arith.extui %sign3A_106 : i1 to i32
      %sign3A_108 = arith.constant 0 : i32
      %sign3A_109 = arith.cmpi slt, %jit3A_96, %sign3A_108 : i32
      %sign3A_110 = arith.extui %sign3A_109 : i1 to i32
      %sign3A_111 = arith.subi %sign3A_107, %sign3A_110 : i32
      %ne3A_112 = arith.cmpi ne, %sign3A_104, %sign3A_111 : i32
      %rem3A_113 = arith.remsi %add3A_81, %jit3A_96 : i32
      %ne3A_114 = arith.constant 0 : i32
      %ne3A_115 = arith.cmpi ne, %rem3A_113, %ne3A_114 : i32
      %and3A_116 = arith.andi %ne3A_112, %ne3A_115 : i1
      %sub3A_117 = arith.constant 1 : i32
      %sub3A_118 = arith.subi %div3A_97, %sub3A_117 : i32
      %select_n3A_119 = arith.select %and3A_116, %sub3A_118, %div3A_97 : i32
      %jit3A_120 = arith.constant 2 : i32
      %eq3A_121 = arith.constant 0 : i32
      %eq3A_122 = arith.cmpi eq, %jit3A_120, %eq3A_121 : i32
      %jit3A_123 = arith.constant 1 : i32
      %select_n3A_124 = arith.select %eq3A_122, %jit3A_123, %jit3A_120 : i32
      %rem3A_125 = arith.remsi %add3A_81, %select_n3A_124 : i32
      %ne3A_126 = arith.constant 0 : i32
      %ne3A_127 = arith.cmpi ne, %rem3A_125, %ne3A_126 : i32
      %lt3A_128 = arith.constant 0 : i32
      %lt3A_129 = arith.cmpi slt, %rem3A_125, %lt3A_128 : i32
      %lt3A_130 = arith.constant 0 : i32
      %lt3A_131 = arith.cmpi slt, %select_n3A_124, %lt3A_130 : i32
      %ne3A_132 = arith.xori %lt3A_129, %lt3A_131 : i1
      %and3A_133 = arith.andi %ne3A_132, %ne3A_127 : i1
      %add3A_134 = arith.addi %rem3A_125, %select_n3A_124 : i32
      %select_n3A_135 = arith.select %and3A_133, %add3A_134, %rem3A_125 : i32
      %mul3A_136 = arith.constant 64 : i32
      %mul3A_137 = arith.muli %select_n3A_135, %mul3A_136 : i32
      %mul3A_138 = arith.constant 128 : i32
      %mul3A_139 = arith.muli %select_n3A_30, %mul3A_138 : i32
      %dma_start3A = arith.constant 0 : i32
      %dma_start3A_140 = arith.constant 0 : i32
      %dma_start3A_141 = arith.constant 0 : i32
      %dma_start3A_142 = tpu.memref_slice %arg7[%dma_start3A, %dma_start3A_140, %dma_start3A_141] : memref<2x64x128xf32, #tpu.memory_space<vmem>> -> memref<1x64x128xf32, #tpu.memory_space<vmem>>
      %dma_start3A_143 = tpu.memref_squeeze %dma_start3A_142 : memref<1x64x128xf32, #tpu.memory_space<vmem>> -> memref<64x128xf32, #tpu.memory_space<vmem>>
      %dma_start3A_144 = tpu.memref_slice %arg4[%select_n3A_119, %select_n3A, %mul3A_137, %mul3A_139] : memref<50x4x128x1024xf32, #tpu.memory_space<hbm>> -> memref<1x1x64x128xf32, #tpu.memory_space<hbm>>
      %dma_start3A_145 = tpu.memref_squeeze %dma_start3A_144 : memref<1x1x64x128xf32, #tpu.memory_space<hbm>> -> memref<64x128xf32, #tpu.memory_space<hbm>>
      %dma_start3A_146 = tpu.memref_slice %arg4[%select_n3A_119, %select_n3A, %mul3A_137, %mul3A_139] : memref<50x4x128x1024xf32, #tpu.memory_space<hbm>> -> memref<1x1x64x128xf32, #tpu.memory_space<hbm>>
      %dma_start3A_147 = tpu.memref_squeeze %dma_start3A_146 : memref<1x1x64x128xf32, #tpu.memory_space<hbm>> -> memref<64x128xf32, #tpu.memory_space<hbm>>
      %dma_start3A_148 = arith.constant 0 : i32
      %dma_start3A_149 = arith.constant 0 : i32
      %dma_start3A_150 = tpu.memref_slice %arg7[%dma_start3A, %dma_start3A_148, %dma_start3A_149] : memref<2x64x128xf32, #tpu.memory_space<vmem>> -> memref<1x64x128xf32, #tpu.memory_space<vmem>>
      %dma_start3A_151 = tpu.memref_squeeze %dma_start3A_150 : memref<1x64x128xf32, #tpu.memory_space<vmem>> -> memref<64x128xf32, #tpu.memory_space<vmem>>
      tpu.enqueue_dma source(%dma_start3A_151 : memref<64x128xf32, #tpu.memory_space<vmem>>) target(%dma_start3A_147 : memref<64x128xf32, #tpu.memory_space<hbm>>) target_semaphore(%arg10 : memref<!tpu.dma_semaphore, #tpu.memory_space<semaphore_mem>>)
      %eq3A_152 = arith.constant 0 : i32
      %eq3A_153 = arith.cmpi eq, %arg1, %eq3A_152 : i32
      %convert_element_type3A_154 = arith.extui %eq3A_153 : i1 to i32
      %cond3A_155 = arith.constant 0 : i32
      %cond3A_156 = arith.cmpi ne, %convert_element_type3A_154, %cond3A_155 : i32
      scf.if %cond3A_156 {
        %mul3A_241 = arith.constant 8192 : i32
        %mul3A_242 = arith.muli %min3A_84, %mul3A_241 : i32
        %dma_wait3A_243 = arith.constant 1 : i32
        %dma_wait3A_244 = arith.constant 0 : i32
        %dma_wait3A_245 = tpu.memref_slice %arg8[%dma_wait3A_243, %dma_wait3A_244] : memref<2x8192xi32, #tpu.memory_space<vmem_shared>> -> memref<1x8192xi32, #tpu.memory_space<vmem_shared>>
        %dma_wait3A_246 = tpu.memref_squeeze %dma_wait3A_245 : memref<1x8192xi32, #tpu.memory_space<vmem_shared>> -> memref<8192xi32, #tpu.memory_space<vmem_shared>>
        %dma_wait3A_247 = tpu.memref_slice %arg3[%mul3A_242] : memref<819200xi32, #tpu.memory_space<hbm>> -> memref<8192xi32, #tpu.memory_space<hbm>>
        tpu.wait_dma2 semaphore(%arg9 : memref<!tpu.dma_semaphore, #tpu.memory_space<semaphore_mem>>) src(%dma_wait3A_247 : memref<8192xi32, #tpu.memory_space<hbm>>) dst(%dma_wait3A_246 : memref<8192xi32, #tpu.memory_space<vmem_shared>>)
      } else {
      }
      %barrier3A_157 = arith.constant 0 : index
      tpu.barrier barrier_id(%barrier3A_157)
      %add3A_158 = arith.constant 1 : i32
      %add3A_159 = arith.addi %add3A_81, %add3A_158 : i32
      %add3A_160 = arith.constant 1 : i32
      %add3A_161 = arith.addi %add3A_159, %add3A_160 : i32
      %min3A_162 = arith.constant 99 : i32
      %min3A_163 = arith.minsi %add3A_161, %min3A_162 : i32
      %eq3A_164 = arith.constant 0 : i32
      %eq3A_165 = arith.cmpi eq, %arg1, %eq3A_164 : i32
      %convert_element_type3A_166 = arith.extui %eq3A_165 : i1 to i32
      %cond3A_167 = arith.constant 0 : i32
      %cond3A_168 = arith.cmpi ne, %convert_element_type3A_166, %cond3A_167 : i32
      scf.if %cond3A_168 {
        %mul3A_241 = arith.constant 8192 : i32
        %mul3A_242 = arith.muli %min3A_163, %mul3A_241 : i32
        %dma_start3A_243 = arith.constant 0 : i32
        %dma_start3A_244 = arith.constant 0 : i32
        %dma_start3A_245 = tpu.memref_slice %arg8[%dma_start3A_243, %dma_start3A_244] : memref<2x8192xi32, #tpu.memory_space<vmem_shared>> -> memref<1x8192xi32, #tpu.memory_space<vmem_shared>>
        %dma_start3A_246 = tpu.memref_squeeze %dma_start3A_245 : memref<1x8192xi32, #tpu.memory_space<vmem_shared>> -> memref<8192xi32, #tpu.memory_space<vmem_shared>>
        %dma_start3A_247 = tpu.memref_slice %arg3[%mul3A_242] : memref<819200xi32, #tpu.memory_space<hbm>> -> memref<8192xi32, #tpu.memory_space<hbm>>
        tpu.enqueue_dma source(%dma_start3A_247 : memref<8192xi32, #tpu.memory_space<hbm>>) target(%dma_start3A_246 : memref<8192xi32, #tpu.memory_space<vmem_shared>>) target_semaphore(%arg9 : memref<!tpu.dma_semaphore, #tpu.memory_space<semaphore_mem>>)
      } else {
      }
      %run_scoped3A_169 = arith.constant 1 : i32
      "tpu.region"() ({
        %run_scoped3A_241 = tpu.sem_alloc : memref<!tpu.dma_semaphore, #tpu.memory_space<semaphore_mem>>
        %dma_start3A_242 = arith.constant 0 : i32
        %dma_start3A_243 = tpu.memref_slice %arg8[%run_scoped3A_169, %dma_start3A_242] : memref<2x8192xi32, #tpu.memory_space<vmem_shared>> -> memref<1x8192xi32, #tpu.memory_space<vmem_shared>>
        %dma_start3A_244 = tpu.memref_squeeze %dma_start3A_243 : memref<1x8192xi32, #tpu.memory_space<vmem_shared>> -> memref<8192xi32, #tpu.memory_space<vmem_shared>>
        %dma_start3A_245 = arith.constant 0 : i32
        %dma_start3A_246 = tpu.memref_slice %arg8[%run_scoped3A_169, %dma_start3A_245] : memref<2x8192xi32, #tpu.memory_space<vmem_shared>> -> memref<1x8192xi32, #tpu.memory_space<vmem_shared>>
        %dma_start3A_247 = tpu.memref_squeeze %dma_start3A_246 : memref<1x8192xi32, #tpu.memory_space<vmem_shared>> -> memref<8192xi32, #tpu.memory_space<vmem_shared>>
        tpu.enqueue_dma source(%dma_start3A_247 : memref<8192xi32, #tpu.memory_space<vmem_shared>>) target(%arg6 : memref<8192xi32, #tpu.memory_space<vmem>>) target_semaphore(%run_scoped3A_241 : memref<!tpu.dma_semaphore, #tpu.memory_space<semaphore_mem>>)
        %dma_wait3A_248 = arith.constant 0 : i32
        %dma_wait3A_249 = tpu.memref_slice %arg8[%run_scoped3A_169, %dma_wait3A_248] : memref<2x8192xi32, #tpu.memory_space<vmem_shared>> -> memref<1x8192xi32, #tpu.memory_space<vmem_shared>>
        %dma_wait3A_250 = tpu.memref_squeeze %dma_wait3A_249 : memref<1x8192xi32, #tpu.memory_space<vmem_shared>> -> memref<8192xi32, #tpu.memory_space<vmem_shared>>
        %dma_wait3A_251 = arith.constant 0 : i32
        %dma_wait3A_252 = tpu.memref_slice %arg8[%run_scoped3A_169, %dma_wait3A_251] : memref<2x8192xi32, #tpu.memory_space<vmem_shared>> -> memref<1x8192xi32, #tpu.memory_space<vmem_shared>>
        %dma_wait3A_253 = tpu.memref_squeeze %dma_wait3A_252 : memref<1x8192xi32, #tpu.memory_space<vmem_shared>> -> memref<8192xi32, #tpu.memory_space<vmem_shared>>
        tpu.wait_dma2 semaphore(%run_scoped3A_241 : memref<!tpu.dma_semaphore, #tpu.memory_space<semaphore_mem>>) src(%dma_wait3A_253 : memref<8192xi32, #tpu.memory_space<vmem_shared>>) dst(%arg6 : memref<8192xi32, #tpu.memory_space<vmem>>)
        tpu.yield
      }) : () -> ()
      %ge3A_170 = arith.constant 2 : i32
      %ge3A_171 = arith.cmpi sge, %add3A_159, %ge3A_170 : i32
      %convert_element_type3A_172 = arith.extui %ge3A_171 : i1 to i32
      %cond3A_173 = arith.constant 0 : i32
      %cond3A_174 = arith.cmpi ne, %convert_element_type3A_172, %cond3A_173 : i32
      scf.if %cond3A_174 {
        %dma_wait3A_241 = arith.constant 0 : i32
        %dma_wait3A_242 = arith.constant 0 : i32
        %dma_wait3A_243 = arith.constant 1 : i32
        %dma_wait3A_244 = arith.constant 0 : i32
        %dma_wait3A_245 = arith.constant 0 : i32
        %dma_wait3A_246 = tpu.memref_slice %arg7[%dma_wait3A_243, %dma_wait3A_244, %dma_wait3A_245] : memref<2x64x128xf32, #tpu.memory_space<vmem>> -> memref<1x64x128xf32, #tpu.memory_space<vmem>>
        %dma_wait3A_247 = tpu.memref_squeeze %dma_wait3A_246 : memref<1x64x128xf32, #tpu.memory_space<vmem>> -> memref<64x128xf32, #tpu.memory_space<vmem>>
        %dma_wait3A_248 = arith.constant 0 : i32
        %dma_wait3A_249 = arith.constant 0 : i32
        %dma_wait3A_250 = tpu.memref_slice %arg4[%dma_wait3A_241, %dma_wait3A_242, %dma_wait3A_248, %dma_wait3A_249] : memref<50x4x128x1024xf32, #tpu.memory_space<hbm>> -> memref<1x1x64x128xf32, #tpu.memory_space<hbm>>
        %dma_wait3A_251 = tpu.memref_squeeze %dma_wait3A_250 : memref<1x1x64x128xf32, #tpu.memory_space<hbm>> -> memref<64x128xf32, #tpu.memory_space<hbm>>
        %dma_wait3A_252 = arith.constant 0 : i32
        %dma_wait3A_253 = arith.constant 0 : i32
        %dma_wait3A_254 = tpu.memref_slice %arg7[%dma_wait3A_243, %dma_wait3A_252, %dma_wait3A_253] : memref<2x64x128xf32, #tpu.memory_space<vmem>> -> memref<1x64x128xf32, #tpu.memory_space<vmem>>
        %dma_wait3A_255 = tpu.memref_squeeze %dma_wait3A_254 : memref<1x64x128xf32, #tpu.memory_space<vmem>> -> memref<64x128xf32, #tpu.memory_space<vmem>>
        %dma_wait3A_256 = arith.constant 0 : i32
        %dma_wait3A_257 = arith.constant 0 : i32
        %dma_wait3A_258 = tpu.memref_slice %arg4[%dma_wait3A_241, %dma_wait3A_242, %dma_wait3A_256, %dma_wait3A_257] : memref<50x4x128x1024xf32, #tpu.memory_space<hbm>> -> memref<1x1x64x128xf32, #tpu.memory_space<hbm>>
        %dma_wait3A_259 = tpu.memref_squeeze %dma_wait3A_258 : memref<1x1x64x128xf32, #tpu.memory_space<hbm>> -> memref<64x128xf32, #tpu.memory_space<hbm>>
        tpu.wait_dma2 semaphore(%arg11 : memref<!tpu.dma_semaphore, #tpu.memory_space<semaphore_mem>>) src(%dma_wait3A_259 : memref<64x128xf32, #tpu.memory_space<hbm>>) dst(%dma_wait3A_255 : memref<64x128xf32, #tpu.memory_space<vmem>>)
      } else {
      }
      %parallel_loop3A_175 = arith.constant 0 : i32
      %parallel_loop3A_176 = arith.constant 8192 : i32
      %parallel_loop3A_177 = arith.constant 16 : i32
      scf.for %parallel_loop3A_241 = %parallel_loop3A_175 to %parallel_loop3A_176 step %parallel_loop3A_177  : i32 {
        %parallel_loop3A_242 = arith.index_cast %parallel_loop3A_241 : i32 to index
        %parallel_loop3A_243 = tpu.vector_load %arg6[%parallel_loop3A_242] {strides = array<i32>} : memref<8192xi32, #tpu.memory_space<vmem>>, vector<16xi32>,
        %parallel_loop3A_244 = tpu.vector_load_idx %arg5[%parallel_loop3A_243] : memref<100000xf32, #tpu.memory_space<vmem>>[vector<16xi32>], vector<16xf32>,
        %parallel_loop3A_245 = arith.constant 128 : i32
        %parallel_loop3A_246 = arith.divsi %parallel_loop3A_241, %parallel_loop3A_245 : i32
        %parallel_loop3A_247 = arith.constant 0 : i32
        %parallel_loop3A_248 = arith.cmpi sgt, %parallel_loop3A_241, %parallel_loop3A_247 : i32
        %parallel_loop3A_249 = arith.extui %parallel_loop3A_248 : i1 to i32
        %parallel_loop3A_250 = arith.constant 0 : i32
        %parallel_loop3A_251 = arith.cmpi slt, %parallel_loop3A_241, %parallel_loop3A_250 : i32
        %parallel_loop3A_252 = arith.extui %parallel_loop3A_251 : i1 to i32
        %parallel_loop3A_253 = arith.subi %parallel_loop3A_249, %parallel_loop3A_252 : i32
        %parallel_loop3A_254 = arith.constant 0 : i32
        %parallel_loop3A_255 = arith.cmpi sgt, %parallel_loop3A_245, %parallel_loop3A_254 : i32
        %parallel_loop3A_256 = arith.extui %parallel_loop3A_255 : i1 to i32
        %parallel_loop3A_257 = arith.constant 0 : i32
        %parallel_loop3A_258 = arith.cmpi slt, %parallel_loop3A_245, %parallel_loop3A_257 : i32
        %parallel_loop3A_259 = arith.extui %parallel_loop3A_258 : i1 to i32
        %parallel_loop3A_260 = arith.subi %parallel_loop3A_256, %parallel_loop3A_259 : i32
        %parallel_loop3A_261 = arith.cmpi ne, %parallel_loop3A_253, %parallel_loop3A_260 : i32
        %parallel_loop3A_262 = arith.remsi %parallel_loop3A_241, %parallel_loop3A_245 : i32
        %parallel_loop3A_263 = arith.constant 0 : i32
        %parallel_loop3A_264 = arith.cmpi ne, %parallel_loop3A_262, %parallel_loop3A_263 : i32
        %parallel_loop3A_265 = arith.andi %parallel_loop3A_261, %parallel_loop3A_264 : i1
        %parallel_loop3A_266 = arith.constant 1 : i32
        %parallel_loop3A_267 = arith.subi %parallel_loop3A_246, %parallel_loop3A_266 : i32
        %parallel_loop3A_268 = arith.select %parallel_loop3A_265, %parallel_loop3A_267, %parallel_loop3A_246 : i32
        %parallel_loop3A_269 = arith.constant 128 : i32
        %parallel_loop3A_270 = arith.constant 0 : i32
        %parallel_loop3A_271 = arith.cmpi eq, %parallel_loop3A_269, %parallel_loop3A_270 : i32
        %parallel_loop3A_272 = arith.constant 1 : i32
        %parallel_loop3A_273 = arith.select %parallel_loop3A_271, %parallel_loop3A_272, %parallel_loop3A_269 : i32
        %parallel_loop3A_274 = arith.remsi %parallel_loop3A_241, %parallel_loop3A_273 : i32
        %parallel_loop3A_275 = arith.constant 0 : i32
        %parallel_loop3A_276 = arith.cmpi ne, %parallel_loop3A_274, %parallel_loop3A_275 : i32
        %parallel_loop3A_277 = arith.constant 0 : i32
        %parallel_loop3A_278 = arith.cmpi slt, %parallel_loop3A_274, %parallel_loop3A_277 : i32
        %parallel_loop3A_279 = arith.constant 0 : i32
        %parallel_loop3A_280 = arith.cmpi slt, %parallel_loop3A_273, %parallel_loop3A_279 : i32
        %parallel_loop3A_281 = arith.xori %parallel_loop3A_278, %parallel_loop3A_280 : i1
        %parallel_loop3A_282 = arith.andi %parallel_loop3A_281, %parallel_loop3A_276 : i1
        %parallel_loop3A_283 = arith.addi %parallel_loop3A_274, %parallel_loop3A_273 : i32
        %parallel_loop3A_284 = arith.select %parallel_loop3A_282, %parallel_loop3A_283, %parallel_loop3A_274 : i32
        %parallel_loop3A_285 = arith.constant 1 : i32
        %parallel_loop3A_286 = arith.index_cast %parallel_loop3A_285 : i32 to index
        %parallel_loop3A_287 = arith.index_cast %parallel_loop3A_268 : i32 to index
        %parallel_loop3A_288 = arith.index_cast %parallel_loop3A_284 : i32 to index
        %parallel_loop3A_289 = tpu.vector_load %arg7[%parallel_loop3A_286, %parallel_loop3A_287, %parallel_loop3A_288] {strides = array<i32>} : memref<2x64x128xf32, #tpu.memory_space<vmem>>, vector<16xf32>,
        tpu.vector_store %arg7[%parallel_loop3A_286, %parallel_loop3A_287, %parallel_loop3A_288], %parallel_loop3A_244 {strides = array<i32>} : memref<2x64x128xf32, #tpu.memory_space<vmem>>, vector<16xf32>,
      } {sc.loop_unroll_factor = 16 : i64, sc.parallel_access}
      %jit3A_178 = arith.constant 2 : i32
      %div3A_179 = arith.divsi %add3A_159, %jit3A_178 : i32
      %sign3A_180 = arith.constant 0 : i32
      %sign3A_181 = arith.cmpi sgt, %add3A_159, %sign3A_180 : i32
      %sign3A_182 = arith.extui %sign3A_181 : i1 to i32
      %sign3A_183 = arith.constant 0 : i32
      %sign3A_184 = arith.cmpi slt, %add3A_159, %sign3A_183 : i32
      %sign3A_185 = arith.extui %sign3A_184 : i1 to i32
      %sign3A_186 = arith.subi %sign3A_182, %sign3A_185 : i32
      %sign3A_187 = arith.constant 0 : i32
      %sign3A_188 = arith.cmpi sgt, %jit3A_178, %sign3A_187 : i32
      %sign3A_189 = arith.extui %sign3A_188 : i1 to i32
      %sign3A_190 = arith.constant 0 : i32
      %sign3A_191 = arith.cmpi slt, %jit3A_178, %sign3A_190 : i32
      %sign3A_192 = arith.extui %sign3A_191 : i1 to i32
      %sign3A_193 = arith.subi %sign3A_189, %sign3A_192 : i32
      %ne3A_194 = arith.cmpi ne, %sign3A_186, %sign3A_193 : i32
      %rem3A_195 = arith.remsi %add3A_159, %jit3A_178 : i32
      %ne3A_196 = arith.constant 0 : i32
      %ne3A_197 = arith.cmpi ne, %rem3A_195, %ne3A_196 : i32
      %and3A_198 = arith.andi %ne3A_194, %ne3A_197 : i1
      %sub3A_199 = arith.constant 1 : i32
      %sub3A_200 = arith.subi %div3A_179, %sub3A_199 : i32
      %select_n3A_201 = arith.select %and3A_198, %sub3A_200, %div3A_179 : i32
      %jit3A_202 = arith.constant 2 : i32
      %eq3A_203 = arith.constant 0 : i32
      %eq3A_204 = arith.cmpi eq, %jit3A_202, %eq3A_203 : i32
      %jit3A_205 = arith.constant 1 : i32
      %select_n3A_206 = arith.select %eq3A_204, %jit3A_205, %jit3A_202 : i32
      %rem3A_207 = arith.remsi %add3A_159, %select_n3A_206 : i32
      %ne3A_208 = arith.constant 0 : i32
      %ne3A_209 = arith.cmpi ne, %rem3A_207, %ne3A_208 : i32
      %lt3A_210 = arith.constant 0 : i32
      %lt3A_211 = arith.cmpi slt, %rem3A_207, %lt3A_210 : i32
      %lt3A_212 = arith.constant 0 : i32
      %lt3A_213 = arith.cmpi slt, %select_n3A_206, %lt3A_212 : i32
      %ne3A_214 = arith.xori %lt3A_211, %lt3A_213 : i1
      %and3A_215 = arith.andi %ne3A_214, %ne3A_209 : i1
      %add3A_216 = arith.addi %rem3A_207, %select_n3A_206 : i32
      %select_n3A_217 = arith.select %and3A_215, %add3A_216, %rem3A_207 : i32
      %mul3A_218 = arith.constant 64 : i32
      %mul3A_219 = arith.muli %select_n3A_217, %mul3A_218 : i32
      %mul3A_220 = arith.constant 128 : i32
      %mul3A_221 = arith.muli %select_n3A_30, %mul3A_220 : i32
      %dma_start3A_222 = arith.constant 1 : i32
      %dma_start3A_223 = arith.constant 0 : i32
      %dma_start3A_224 = arith.constant 0 : i32
      %dma_start3A_225 = tpu.memref_slice %arg7[%dma_start3A_222, %dma_start3A_223, %dma_start3A_224] : memref<2x64x128xf32, #tpu.memory_space<vmem>> -> memref<1x64x128xf32, #tpu.memory_space<vmem>>
      %dma_start3A_226 = tpu.memref_squeeze %dma_start3A_225 : memref<1x64x128xf32, #tpu.memory_space<vmem>> -> memref<64x128xf32, #tpu.memory_space<vmem>>
      %dma_start3A_227 = tpu.memref_slice %arg4[%select_n3A_201, %select_n3A, %mul3A_219, %mul3A_221] : memref<50x4x128x1024xf32, #tpu.memory_space<hbm>> -> memref<1x1x64x128xf32, #tpu.memory_space<hbm>>
      %dma_start3A_228 = tpu.memref_squeeze %dma_start3A_227 : memref<1x1x64x128xf32, #tpu.memory_space<hbm>> -> memref<64x128xf32, #tpu.memory_space<hbm>>
      %dma_start3A_229 = tpu.memref_slice %arg4[%select_n3A_201, %select_n3A, %mul3A_219, %mul3A_221] : memref<50x4x128x1024xf32, #tpu.memory_space<hbm>> -> memref<1x1x64x128xf32, #tpu.memory_space<hbm>>
      %dma_start3A_230 = tpu.memref_squeeze %dma_start3A_229 : memref<1x1x64x128xf32, #tpu.memory_space<hbm>> -> memref<64x128xf32, #tpu.memory_space<hbm>>
      %dma_start3A_231 = arith.constant 0 : i32
      %dma_start3A_232 = arith.constant 0 : i32
      %dma_start3A_233 = tpu.memref_slice %arg7[%dma_start3A_222, %dma_start3A_231, %dma_start3A_232] : memref<2x64x128xf32, #tpu.memory_space<vmem>> -> memref<1x64x128xf32, #tpu.memory_space<vmem>>
      %dma_start3A_234 = tpu.memref_squeeze %dma_start3A_233 : memref<1x64x128xf32, #tpu.memory_space<vmem>> -> memref<64x128xf32, #tpu.memory_space<vmem>>
      tpu.enqueue_dma source(%dma_start3A_234 : memref<64x128xf32, #tpu.memory_space<vmem>>) target(%dma_start3A_230 : memref<64x128xf32, #tpu.memory_space<hbm>>) target_semaphore(%arg11 : memref<!tpu.dma_semaphore, #tpu.memory_space<semaphore_mem>>)
      %eq3A_235 = arith.constant 0 : i32
      %eq3A_236 = arith.cmpi eq, %arg1, %eq3A_235 : i32
      %convert_element_type3A_237 = arith.extui %eq3A_236 : i1 to i32
      %cond3A_238 = arith.constant 0 : i32
      %cond3A_239 = arith.cmpi ne, %convert_element_type3A_237, %cond3A_238 : i32
      scf.if %cond3A_239 {
        %mul3A_241 = arith.constant 8192 : i32
        %mul3A_242 = arith.muli %min3A_163, %mul3A_241 : i32
        %dma_wait3A_243 = arith.constant 0 : i32
        %dma_wait3A_244 = arith.constant 0 : i32
        %dma_wait3A_245 = tpu.memref_slice %arg8[%dma_wait3A_243, %dma_wait3A_244] : memref<2x8192xi32, #tpu.memory_space<vmem_shared>> -> memref<1x8192xi32, #tpu.memory_space<vmem_shared>>
        %dma_wait3A_246 = tpu.memref_squeeze %dma_wait3A_245 : memref<1x8192xi32, #tpu.memory_space<vmem_shared>> -> memref<8192xi32, #tpu.memory_space<vmem_shared>>
        %dma_wait3A_247 = tpu.memref_slice %arg3[%mul3A_242] : memref<819200xi32, #tpu.memory_space<hbm>> -> memref<8192xi32, #tpu.memory_space<hbm>>
        tpu.wait_dma2 semaphore(%arg9 : memref<!tpu.dma_semaphore, #tpu.memory_space<semaphore_mem>>) src(%dma_wait3A_247 : memref<8192xi32, #tpu.memory_space<hbm>>) dst(%dma_wait3A_246 : memref<8192xi32, #tpu.memory_space<vmem_shared>>)
      } else {
      }
      %barrier3A_240 = arith.constant 0 : index
      tpu.barrier barrier_id(%barrier3A_240)
    }
    %scan3A_39 = arith.constant 50 : i32
    %dma_wait3A = arith.constant 0 : i32
    %dma_wait3A_40 = arith.constant 0 : i32
    %dma_wait3A_41 = arith.constant 0 : i32
    %dma_wait3A_42 = arith.constant 0 : i32
    %dma_wait3A_43 = arith.constant 0 : i32
    %dma_wait3A_44 = tpu.memref_slice %arg7[%dma_wait3A_41, %dma_wait3A_42, %dma_wait3A_43] : memref<2x64x128xf32, #tpu.memory_space<vmem>> -> memref<1x64x128xf32, #tpu.memory_space<vmem>>
    %dma_wait3A_45 = tpu.memref_squeeze %dma_wait3A_44 : memref<1x64x128xf32, #tpu.memory_space<vmem>> -> memref<64x128xf32, #tpu.memory_space<vmem>>
    %dma_wait3A_46 = arith.constant 0 : i32
    %dma_wait3A_47 = arith.constant 0 : i32
    %dma_wait3A_48 = tpu.memref_slice %arg4[%dma_wait3A, %dma_wait3A_40, %dma_wait3A_46, %dma_wait3A_47] : memref<50x4x128x1024xf32, #tpu.memory_space<hbm>> -> memref<1x1x64x128xf32, #tpu.memory_space<hbm>>
    %dma_wait3A_49 = tpu.memref_squeeze %dma_wait3A_48 : memref<1x1x64x128xf32, #tpu.memory_space<hbm>> -> memref<64x128xf32, #tpu.memory_space<hbm>>
    %dma_wait3A_50 = arith.constant 0 : i32
    %dma_wait3A_51 = arith.constant 0 : i32
    %dma_wait3A_52 = tpu.memref_slice %arg7[%dma_wait3A_41, %dma_wait3A_50, %dma_wait3A_51] : memref<2x64x128xf32, #tpu.memory_space<vmem>> -> memref<1x64x128xf32, #tpu.memory_space<vmem>>
    %dma_wait3A_53 = tpu.memref_squeeze %dma_wait3A_52 : memref<1x64x128xf32, #tpu.memory_space<vmem>> -> memref<64x128xf32, #tpu.memory_space<vmem>>
    %dma_wait3A_54 = arith.constant 0 : i32
    %dma_wait3A_55 = arith.constant 0 : i32
    %dma_wait3A_56 = tpu.memref_slice %arg4[%dma_wait3A, %dma_wait3A_40, %dma_wait3A_54, %dma_wait3A_55] : memref<50x4x128x1024xf32, #tpu.memory_space<hbm>> -> memref<1x1x64x128xf32, #tpu.memory_space<hbm>>
    %dma_wait3A_57 = tpu.memref_squeeze %dma_wait3A_56 : memref<1x1x64x128xf32, #tpu.memory_space<hbm>> -> memref<64x128xf32, #tpu.memory_space<hbm>>
    tpu.wait_dma2 semaphore(%arg10 : memref<!tpu.dma_semaphore, #tpu.memory_space<semaphore_mem>>) src(%dma_wait3A_57 : memref<64x128xf32, #tpu.memory_space<hbm>>) dst(%dma_wait3A_53 : memref<64x128xf32, #tpu.memory_space<vmem>>)
    %dma_wait3A_58 = arith.constant 0 : i32
    %dma_wait3A_59 = arith.constant 0 : i32
    %dma_wait3A_60 = arith.constant 1 : i32
    %dma_wait3A_61 = arith.constant 0 : i32
    %dma_wait3A_62 = arith.constant 0 : i32
    %dma_wait3A_63 = tpu.memref_slice %arg7[%dma_wait3A_60, %dma_wait3A_61, %dma_wait3A_62] : memref<2x64x128xf32, #tpu.memory_space<vmem>> -> memref<1x64x128xf32, #tpu.memory_space<vmem>>
    %dma_wait3A_64 = tpu.memref_squeeze %dma_wait3A_63 : memref<1x64x128xf32, #tpu.memory_space<vmem>> -> memref<64x128xf32, #tpu.memory_space<vmem>>
    %dma_wait3A_65 = arith.constant 0 : i32
    %dma_wait3A_66 = arith.constant 0 : i32
    %dma_wait3A_67 = tpu.memref_slice %arg4[%dma_wait3A_58, %dma_wait3A_59, %dma_wait3A_65, %dma_wait3A_66] : memref<50x4x128x1024xf32, #tpu.memory_space<hbm>> -> memref<1x1x64x128xf32, #tpu.memory_space<hbm>>
    %dma_wait3A_68 = tpu.memref_squeeze %dma_wait3A_67 : memref<1x1x64x128xf32, #tpu.memory_space<hbm>> -> memref<64x128xf32, #tpu.memory_space<hbm>>
    %dma_wait3A_69 = arith.constant 0 : i32
    %dma_wait3A_70 = arith.constant 0 : i32
    %dma_wait3A_71 = tpu.memref_slice %arg7[%dma_wait3A_60, %dma_wait3A_69, %dma_wait3A_70] : memref<2x64x128xf32, #tpu.memory_space<vmem>> -> memref<1x64x128xf32, #tpu.memory_space<vmem>>
    %dma_wait3A_72 = tpu.memref_squeeze %dma_wait3A_71 : memref<1x64x128xf32, #tpu.memory_space<vmem>> -> memref<64x128xf32, #tpu.memory_space<vmem>>
    %dma_wait3A_73 = arith.constant 0 : i32
    %dma_wait3A_74 = arith.constant 0 : i32
    %dma_wait3A_75 = tpu.memref_slice %arg4[%dma_wait3A_58, %dma_wait3A_59, %dma_wait3A_73, %dma_wait3A_74] : memref<50x4x128x1024xf32, #tpu.memory_space<hbm>> -> memref<1x1x64x128xf32, #tpu.memory_space<hbm>>
    %dma_wait3A_76 = tpu.memref_squeeze %dma_wait3A_75 : memref<1x1x64x128xf32, #tpu.memory_space<hbm>> -> memref<64x128xf32, #tpu.memory_space<hbm>>
    tpu.wait_dma2 semaphore(%arg11 : memref<!tpu.dma_semaphore, #tpu.memory_space<semaphore_mem>>) src(%dma_wait3A_76 : memref<64x128xf32, #tpu.memory_space<hbm>>) dst(%dma_wait3A_72 : memref<64x128xf32, #tpu.memory_space<vmem>>)
    return
  }
}

</mosaic_0001>

<sc_bundles>
// kernel: kernel.3.cloned.1.call-start
scs
__scs_entry_jumppad:
0x0: {  	(pc) =	sbr.rel $0x88, $3  }
0x1: {  	(tag) =	ssettag $0x0;
	lr =	simm.s32 $0x1  }
0x2: {  	[smem:$0x3F9F] =	sst lr;
	_ =	strace $0xD0000000  }
0x3: {  	_ = 	snop  }
0x4: {  	_ = 	snop  }
0x5: {  	_ = 	snop  }
0x6: {  	_ = 	snop  }
0x7: {  	_ = 	snop  }
__scs_overlays_trampoline_lowered:
0x8: {  	[smem:$0x3FAE] =	sst s0  }
0x9: {  	[smem:$0x3FAF] =	sst s1  }
0xa: {  	[smem:$0x3FB0] =	sst s2  }
0xb: {  	[smem:$0x3FB1] =	sst s3  }
0xc: {  	[smem:$0x3FB2] =	sst s4  }
0xd: {  	[smem:$0x3FB3] =	sst s5  }
0xe: {  	[smem:$0x3FB4] =	sst s6  }
0xf: {  	[smem:$0x3FB5] =	sst s7  }
0x10: {  	[smem:$0x3FB6] =	sst s8  }
0x11: {  	[smem:$0x3FB7] =	sst s9;
	s0 =	simm.s32 @!p0 $0x0  }
0x12: {  	s1 =	sld [smem:$0x3F9D];
	s0 =	simm.s32 @p0 $0x1  }
0x13: {  	[smem:$0x3FB8] =	sst s0;
	s0 =	simm.s32 @!p1 $0x0  }
0x14: {  	s2 =	sld [smem:$0x3F9C];
	s0 =	simm.s32 @p1 $0x1  }
0x15: {  	[smem:$0x3FB9] =	sst s0;
	s0 =	simm.s32 @!p2 $0x0  }
0x16: {  	s3 =	sld [smem:$0x3FDB];
	s0 =	simm.s32 @p2 $0x1  }
0x17: {  	s4 =	simm.s32 $0x1BF5;
	[smem:$0x3FBB] =	sst s0  }
0x18: {  	s0 =	sld [smem:$0x3F9E];
	_ =	swait.ge [sflag:s4], $0x0  }
0x19: {  	s7 =	sld [smem:$0x3F9F]  }
0x1a: {  	s8 =	sadd.s32 $0xFFFFE003, lr  }
0x1b: {  	s9 =	sadd.s32 $0xFFFFFEF7, lr;
	s5 =	simm.s32 $0xFFFFFFFF;
	p2 =	slt.u32 s8, $0xFFFFF086  }
0x1c: {  	p1 =	slt.u32 s9, $0xF7A;
	s5 =	simm.s32 @!p2 $0x0  }
0x1d: {  	s5 =	simm.s32 @p1 $0x1;
	p0 =	seq.s32 s7, s2  }
0x1e: {  	s7 =	smul.u32 @!p0 $0xF7A, s2;
	p2 =	seq.s32 @!p0 s5, $0x0  }
0x1f: {  	s9 =	smul.u32 $0xF7A, s1;
	s8 =	simm.s32 @!p0 $0x1BF5;
	p2 =	por !p2, p0  }
0x20: {  	[sflag:s8] =	ssyncset.s32 @!p0 $0xFFFFF086;
	s6 =	sadd.s32 @!p0 s3, s7;
	s7 =	simm.s32 @!p0 $0x108  }
0x21: {  	s3 =	sadd.s32 s3, s9;
	s6 =	sadd.s32 @!p0 $0x88, s6;
	s7 =	simm.s32 @p2 $0x1082  }
0x22: {  	[simem:s7], [sflag:s8] =	dma.local @!p0 [hbm:s6], $0xF7A  }
0x23: {  	s9 =	sor.u32 $0xD0000000, s2;
	s6 =	simm.s32 $0x108;
	_ =	swait.ge @!p0 [sflag:s8], $0x0  }
0x24: {  	s3 =	sadd.s32 $0x88, s3;
	s6 =	simm.s32 @!p1 $0x1082;
	[sflag:s4] =	ssyncset.s32 $0xFFFFF086  }
0x25: {  	[simem:s6], [sflag:s4] =	dma.local [hbm:s3], $0xF7A  }
0x26: {  	[smem:$0x3F9F] =	sst s1;
	(tag) =	ssettag s2;
	_ =	strace s9  }
0x27: {  	s1 =	sld [smem:$0x3FAF]  }
0x28: {  	s2 =	sld [smem:$0x3FB0]  }
0x29: {  	s4 =	sld [smem:$0x3FB2]  }
0x2a: {  	p0 =	seq.s32 s5, $0x0;
	s5 =	sld [smem:$0x3FB3]  }
0x2b: {  	s6 =	sld [smem:$0x3FB4]  }
0x2c: {  	s7 =	sld [smem:$0x3FB5]  }
0x2d: {  	s3 =	simm.s32 $0x108;
	s8 =	sld [smem:$0x3FB6]  }
0x2e: {  	s3 =	simm.s32 @!p0 $0x1082;
	s9 =	sld [smem:$0x3FB7]  }
0x2f: {  	lr =	sadd.s32 s0, s3;
	s0 =	sld [smem:$0x3FAE]  }
0x30: {  	s3 =	sld [smem:$0x3FB1]  }
0x31: {  	[smem:$0x3FBA] =	sst s10  }
0x32: {  	s10 =	sld [smem:$0x3FB8];
	_ =	sdelay $0x3  }
0x33: {  	p0 =	seq.s32 s10, $0x1;
	s10 =	sld [smem:$0x3FBA];
	_ =	sdelay $0x3  }
0x34: {  	[smem:$0x3FBA] =	sst s10  }
0x35: {  	s10 =	sld [smem:$0x3FB9];
	_ =	sdelay $0x3  }
0x36: {  	p1 =	seq.s32 s10, $0x1;
	s10 =	sld [smem:$0x3FBA];
	_ =	sdelay $0x3  }
0x37: {  	[smem:$0x3FBA] =	sst s10  }
0x38: {  	s10 =	sld [smem:$0x3FBB]  }
0x39: {  	_ = 	snop;
	(pc) =	sbr.ind lr, $3  }
0x3a: {  	_ = 	snop  }
0x3b: {  	_ = 	snop  }
0x3c: {  	p2 =	seq.s32 s10, $0x1;
	s10 =	sld [smem:$0x3FBA]  }
0x3d: {  	_ =	shalt  }
0x3e: {  	_ =	shalt  }
0x3f: {  	_ =	shalt  }
0x40: {  	_ =	shalt  }
0x41: {  	_ =	shalt  }
0x42: {  	_ =	shalt  }
0x43: {  	_ =	shalt  }
0x44: {  	_ =	shalt  }
0x45: {  	_ =	shalt  }
0x46: {  	_ =	shalt  }
0x47: {  	_ =	shalt  }
0x48: {  	_ =	shalt  }
0x49: {  	_ =	shalt  }
0x4a: {  	_ =	shalt  }
0x4b: {  	_ =	shalt  }
0x4c: {  	_ =	shalt  }
0x4d: {  	_ =	shalt  }
0x4e: {  	_ =	shalt  }
0x4f: {  	_ =	shalt  }
0x50: {  	_ =	shalt  }
0x51: {  	_ =	shalt  }
0x52: {  	_ =	shalt  }
0x53: {  	_ =	shalt  }
0x54: {  	_ =	shalt  }
0x55: {  	_ =	shalt  }
0x56: {  	_ =	shalt  }
0x57: {  	_ =	shalt  }
0x58: {  	_ =	shalt  }
0x59: {  	_ =	shalt  }
0x5a: {  	_ =	shalt  }
0x5b: {  	_ =	shalt  }
0x5c: {  	_ =	shalt  }
0x5d: {  	_ =	shalt  }
0x5e: {  	_ =	shalt  }
0x5f: {  	_ =	shalt  }
0x60: {  	_ =	shalt  }
0x61: {  	_ =	shalt  }
0x62: {  	_ =	shalt  }
0x63: {  	_ =	shalt  }
0x64: {  	_ =	shalt  }
0x65: {  	_ =	shalt  }
0x66: {  	_ =	shalt  }
0x67: {  	_ =	shalt  }
0x68: {  	_ =	shalt  }
0x69: {  	_ =	shalt  }
0x6a: {  	_ =	shalt  }
0x6b: {  	_ =	shalt  }
0x6c: {  	_ =	shalt  }
0x6d: {  	_ =	shalt  }
0x6e: {  	_ =	shalt  }
0x6f: {  	_ =	shalt  }
0x70: {  	_ =	shalt  }
0x71: {  	_ =	shalt  }
0x72: {  	_ =	shalt  }
0x73: {  	_ =	shalt  }
0x74: {  	_ =	shalt  }
0x75: {  	_ =	shalt  }
0x76: {  	_ =	shalt  }
0x77: {  	_ =	shalt  }
0x78: {  	_ =	shalt  }
0x79: {  	_ =	shalt  }
0x7a: {  	_ =	shalt  }
0x7b: {  	_ =	shalt  }
0x7c: {  	_ =	shalt  }
0x7d: {  	_ =	shalt  }
0x7e: {  	_ =	shalt  }
0x7f: {  	_ =	shalt  }
0x80: {  	_ =	shalt  }
0x81: {  	_ =	shalt  }
0x82: {  	_ =	shalt  }
0x83: {  	_ =	shalt  }
0x84: {  	_ =	shalt  }
0x85: {  	_ =	shalt  }
0x86: {  	_ =	shalt  }
0x87: {  	_ =	shalt  }
.Lfunc_end0:
.L_simem_size_0:
called_computation_lowered:
.L_overlay_start_0:
0x88: {  	s2 =	sld [smem:$0x3FD9]  }
0x89: {  	s3 =	sld [smem:$0x3FFE];
	_ =	sdelay $0x1  }
0x8a: {  	s1 =	srdreg.scid  }
0x8b: {  	s0 =	sand.u32 $0x1, s1  }
0x8c: {  	s17 =	sshll.u32 s0, $0xA;
	s2 =	sadd.s32 s3, s2  }
0x8d: {  	s2 =	sadd.s32 s2, s17  }
0x8e: {  	[smem:$0x3FC6] =	sst s2  }
0x8f: {  	_ = 	snop  }
0x90: {  	s2 =	sld [smem:$0x3FD0];
	(tm) =	ssettm $0x1  }
0x91: {  	s18 =	sld [smem:$0x3FFB];
	_ =	sdelay $0x3  }
0x92: {  	_ =	strace s18  }
0x93: {  	s3 =	sld [smem:$0x3FFC];
	_ =	sdelay $0x3  }
0x94: {  	_ =	strace s3  }
0x95: {  	s3 =	sld [smem:$0x3FFD];
	_ =	sdelay $0x3  }
0x96: {  	_ =	strace s3  }
0x97: {  	_ =	strace $0x8FFFFFFF  }
0x98: {  	s19 =	sld [smem:$0x3FDB];
	_ =	sdelay $0x1  }
0x99: {  	s4 =	simm.s32 $_scs_section_size  }
0x9a: {  	s5 =	simm.s32 $_size__tile_overlayer_lowered;
	s6 =	simm.s32 $_tile_overlayer_lowered  }
0x9b: {  	s22 =	simm.s32 $0x1BFF;
	s21 =	sshll.u32 s6, $0x1;
	s3 =	sadd.s32 s4, s19  }
0x9c: {  	s7 =	simm.s32 $0x0;
	s20 =	sshll.u32 s5, $0x1;
	s5 =	sadd.s32 s21, s3  }
0x9d: {  	[timem:s7], [sflag:s22] =	dma.local [hbm:s5], s20  }
0x9e: {  	_ =	swait.ge [sflag:s22], s20  }
0x9f: {  	s4 =	ssub.s32 $0x0, s20;
	[sflag:s22] =	ssyncset.done $0x0  }
0xa0: {  	[sflag:s22] =	ssyncadd.s32 s4;
	_ =	sdelay $0x1  }
0xa1: {  	s23 =	simm.s32 $0x1B8B  }
0xa2: {  	_ =	swait.ge [sflag:s23], $0x1  }
0xa3: {  	[sflag:s23] =	ssyncset.done $0x0  }
0xa4: {  	s25 =	simm.s32 $0x1B8E;
	s24 =	sld [smem:$0x3FFE];
	[sflag:s23] =	ssyncadd.s32 $0xFFFFFFFF  }
0xa5: {  	s26 =	simm.s32 $execute0_lowered;
	[smem:$0x3FD2] =	sst s25  }
0xa6: {  	s5 =	sshll.u32 s26, $0x1;
	_ =	strace $0x80000046;
	[dreg:$0x1] =	wrdreg $0xFFFFFFFF  }
0xa7: {  	s28 =	simm.s32 $_size_execute0_lowered;
	s3 =	sadd.s32 s3, s5;
	[dreg:$0x0] =	wrdreg $0x0  }
0xa8: {  	s5 =	sshll.u32 s28, $0x1;
	[dreg:$0x2] =	wrdreg s3  }
0xa9: {  	[dreg:$0x3] =	wrdreg s5  }
0xaa: {  	[dreg:$0x4] =	wrdreg $0xC0  }
0xab: {  	_ =	task [dreg:s7], $0x5FFFF  }
0xac: {  	[dreg:$0x1] =	wrdreg $0xFFFFFFFF  }
0xad: {  	[dreg:$0x0] =	wrdreg $0x60  }
0xae: {  	[dreg:$0x2] =	wrdreg s24  }
0xaf: {  	[dreg:$0x3] =	wrdreg s2  }
0xb0: {  	[dreg:$0x4] =	wrdreg $0x1E6A00  }
0xb1: {  	[dreg:$0x5] =	wrdreg $0x9  }
0xb2: {  	_ =	task.clear_ibuf [dreg:s7], $0x6FFFF;
	_ =	strace $0x90000046  }
0xb3: {  	s29 =	simm.s32 $0x9;
	_ =	strace $0x80000048  }
0xb4: {  	_ =	swait.ge [sflag:s29], $0x1  }
0xb5: {  	[sflag:s29] =	ssyncadd.s32 $0xFFFFFFFF  }
0xb6: {  	_ =	strace $0x90000048  }
0xb7: {  	_ =	sfence  }
0xb8: {  	s30 =	sld [smem:$0x0];
	_ =	sdelay $0x2  }
0xb9: {  	s31 =	sshll.u32 s1, $0xD;
	s1 =	sshrl.u32 s1, $0x2  }
0xba: {  	s3 =	sand.u32 $0x4000, s31;
	s1 =	sadd.s32 s1, s30  }
0xbb: {  	s0 =	sor.u32 s3, s0;
	s1 =	sshll.u32 s1, $0x11  }
0xbc: {  	s0 =	sor.u32 s1, s0  }
0xbd: {  	s0 =	sadd.s32 $0x8F2B, s0  }
0xbe: {  	[sflag:s0] =	ssyncadd.remote.s32 $0x1  }
0xbf: {  	_ =	sfence.sel $0xFFFF  }
0xc0: {  	[dreg:$0x0] =	wrdreg $0xFFFFFFFF;
	(pc) =	sbr.abs _section_cstart, $3  }
0xc1: {  	[dreg:$0x1] =	wrdreg $0xFFFFFFFF  }
0xc2: {  	_ =	task.clear_ibuf [dreg:s7], $0x2FFFF;
	_ =	strace $0x9FFFFFFF  }
0xc3: {  	(tm) =	ssettm $0x7FFFFFFF  }
tec
execute0_lowered:
.L_overlay_start_1:
0x0: {  	(tag) =	ssettag $0x1  }
0x1: {  	s9 =	rddreg [dreg:$0x0]  }
0x2: {  	s1 =	rddreg [dreg:$0x1]  }
0x3: {  	s0 =	srdreg.scid;
	s2 =	rddreg [dreg:$0x2]  }
0x4: {  	s11 =	stileid.u32;
	s3 =	simm.s32 $0x0;
	s8 =	simm.s32 $0x1  }
0x5: {  	s15 =	simm.s32 $0x186A0;
	s16 =	simm.s32 $0x80;
	s17 =	simm.s32 $0x400  }
0x6: {  	s18 =	simm.s32 $0x1A6A0;
	s19 =	simm.s32 $0x1C6A0;
	s20 =	simm.s32 $0x2  }
0x7: {  	s21 =	simm.s32 $0x3;
	s5 =	sand.u32 $0x1, s0;
	s0 =	rddreg [dreg:$0x3]  }
0x8: {  	s22 =	simm.s32 $0x0;
	[smem:$0x7FF] =	sst s3;
	s7 =	sand.u32 $0x7, s11  }
0x9: {  	s30 =	sshll.u32 s11, $0x7;
	s4 =	sshll.u32 s5, $0x4;
	_ =	strace $0x80000047  }
0xa: {  	p1 =	sne.s32 s7, $0x0;
	s5 =	ssub.s32 $0x2, s5;
	s6 =	sor.u32 s11, s4  }
0xb: {  	s7 =	sadd.s32 $0x800, s9;
	s10 =	sshrl.u32 s5, $0x1;
	s4 =	smul.u32 $0x30D4, s6  }
0xc: {  	p0 =	seq.s32 s6, $0x0;
	s6 =	sshrl.u32 s6, $0x3;
	s12 =	ssub.s32 s5, s10  }
0xd: {  	s10 =	sadd.s32 $0x2000, s1;
	p0 =	por !p1, !p0;
	s29 =	sadd.s32 s4, s9  }
0xe: {  	s4 =	sadd.s32 $0x400, s9;
	p0 =	por !p0, !p0;
	s9 =	sadd.s32 $0xC00, s9  }
0xf: {  	s8 =	simm.s32 @!p0 $0x0;
	s5 =	sadd.s32 $0x19400, s29;
	p0 =	sne.s32 s11, $0x0  }
0x10: {  	s11 =	smax.u32 s12, $0x1;
	s12 =	simm.s32 $0x4;
	s6 =	ssub.s32 s6, s8  }
0x11: {  	s8 =	sand.u32 $0x380, s30;
	s31 =	sshll.u32 s6, $0x11;
	s6 =	sadd.s32 $0x2000, s2  }
0x12: {  	s13 =	sshrl.u32 @!p0 s2, $0x3;
	s8 =	sor.u32 s8, s31;
	s14 =	sshrl.u32 @!p0 s6, $0x3  }
.LBB2_1:
0x13: {  	[tilespmem:s3], [sflag:$0x4] =	stream.linear.gather [hbm4b:s5+s3], $0x186A0, $0x38;
	[tilespmem:$0x1EAA0] =	vst v63  }
0x14: {  	_ =	swait.ge [sflag:s12], $0x186A0  }
0x15: {  	[sflag:s12] =	ssyncset.done $0x0  }
0x16: {  	s23 =	simm.s32 @!p0 $0x1C01;
	s24 =	simm.s32 @!p0 $0x1;
	[sflag:s12] =	ssyncadd.s32 $0xFFFE7960  }
0x17: {  	[spmem:s13], [sflag:s23] =	dma.local @!p0 [hbm:s4], $0x400  }
0x18: {  	_ =	swait.ge @!p0 [sflag:s24], $0x400  }
0x19: {  	[sflag:s24] =	ssyncset.done @!p0 $0x0  }
0x1a: {  	[sflag:s24] =	ssyncadd.s32 @!p0 $0xFFFFFC00  }
0x1b: {  	s24 =	simm.s32 $0x0;
	[bflag:$0x0] =	sbarrier.arrive $0xFFFF  }
.LBB2_2:
0x1c: {  	s25 =	sshll.u32 @!p0 s24, $0xB  }
0x1d: {  	s25 =	sadd.s32 @!p0 s25, s7  }
0x1e: {  	[spmem:s14], [sflag:s23] =	dma.local @!p0 [hbm:s25], $0x400  }
0x1f: {  	[tilespmem:s15], [sflag:$0x4] =	stream.linear.gather [spmem:s2], $0x2000, $0x38;
	[tilespmem:$0x1EAA0] =	vst v63  }
0x20: {  	_ =	swait.ge [sflag:s12], $0x2000  }
0x21: {  	p1 =	seq.s32 s24, $0x0;
	[sflag:s12] =	ssyncset.done $0x0  }
0x22: {  	s25 =	simm.s32 @!p1 $0x2;
	[sflag:s12] =	ssyncadd.s32 $0xFFFFE000  }
0x23: {  	_ =	swait.ge @!p1 [sflag:s25], $0x2000  }
0x24: {  	[sflag:s25] =	ssyncset.done @!p1 $0x0  }
0x25: {  	s31 =	simm.s32 $0x18720;
	[sflag:s25] =	ssyncadd.s32 @!p1 $0xFFFFE000  }
0x26: {  	v0 =	vld [tilespmem:s31+$0x70]  }
0x27: {  	v1 =	vld [tilespmem:s31+$0xFFFFFF90]  }
0x28: {  	v2 =	vld [tilespmem:s31+$0xFFFFFFA0]  }
0x29: {  	v3 =	vld [tilespmem:s31+$0xFFFFFFB0]  }
0x2a: {  	v4 =	vld [tilespmem:s31+$0xFFFFFFC0]  }
0x2b: {  	v5 =	vld [tilespmem:s31+$0xFFFFFFD0]  }
0x2c: {  	v6 =	vld [tilespmem:s31+$0xFFFFFFE0]  }
0x2d: {  	v7 =	vld [tilespmem:s31+$0xFFFFFFF0]  }
0x2e: {  	v8 =	vld [tilespmem:s31+$0x0]  }
0x2f: {  	v9 =	vld [tilespmem:s31+$0x10]  }
0x30: {  	v10 =	vld [tilespmem:s31+$0x20]  }
0x31: {  	v11 =	vld [tilespmem:s31+$0x30]  }
0x32: {  	v12 =	vld [tilespmem:s31+$0x40]  }
0x33: {  	v13 =	vld [tilespmem:s31+$0x50]  }
0x34: {  	v14 =	vld [tilespmem:s31+$0x60]  }
0x35: {  	v15 =	vld [tilespmem:s31+$0xFFFFFF80]  }
0x36: {  	v0 =	vld.idx.msk [tilespmem:v0+s3+$0x0], $0xffff  }
0x37: {  	v1 =	vld.idx.msk [tilespmem:v1+s3+$0x0], $0xffff  }
0x38: {  	v2 =	vld.idx.msk [tilespmem:v2+s3+$0x0], $0xffff  }
0x39: {  	v3 =	vld.idx.msk [tilespmem:v3+s3+$0x0], $0xffff  }
0x3a: {  	v4 =	vld.idx.msk [tilespmem:v4+s3+$0x0], $0xffff  }
0x3b: {  	s26 =	simm.s32 $0x1A720;
	v5 =	vld.idx.msk [tilespmem:v5+s3+$0x0], $0xffff  }
0x3c: {  	v6 =	vld.idx.msk [tilespmem:v6+s3+$0x0], $0xffff;
	[tilespmem:s26+$0x70] =	vst v0  }
0x3d: {  	v7 =	vld.idx.msk [tilespmem:v7+s3+$0x0], $0xffff;
	[tilespmem:s26+$0xFFFFFF90] =	vst v1  }
0x3e: {  	v15 =	vld.idx.msk [tilespmem:v15+s3+$0x0], $0xffff;
	[tilespmem:s26+$0xFFFFFFA0] =	vst v2  }
0x3f: {  	v8 =	vld.idx.msk [tilespmem:v8+s3+$0x0], $0xffff;
	[tilespmem:s26+$0xFFFFFFB0] =	vst v3  }
0x40: {  	[tilespmem:s26+$0xFFFFFFC0] =	vst v4;
	v0 =	vld.idx.msk [tilespmem:v9+s3+$0x0], $0xffff  }
0x41: {  	[tilespmem:s26+$0xFFFFFFD0] =	vst v5;
	v1 =	vld.idx.msk [tilespmem:v10+s3+$0x0], $0xffff  }
0x42: {  	[tilespmem:s26+$0xFFFFFFE0] =	vst v6;
	v2 =	vld.idx.msk [tilespmem:v11+s3+$0x0], $0xffff  }
0x43: {  	[tilespmem:s26+$0xFFFFFFF0] =	vst v7;
	v3 =	vld.idx.msk [tilespmem:v12+s3+$0x0], $0xffff  }
0x44: {  	[tilespmem:s26+$0xFFFFFF80] =	vst v15;
	v4 =	vld.idx.msk [tilespmem:v13+s3+$0x0], $0xffff  }
0x45: {  	s28 =	sshll.u32 s24, $0x1;
	s29 =	simm.s32 $0x18820;
	s25 =	simm.s32 $0x0;
	[tilespmem:s26+$0x0] =	vst v8;
	v5 =	vld.idx.msk [tilespmem:v14+s3+$0x0], $0xffff  }
.LBB2_3:
0x46: {  	v6 =	vld [tilespmem:s29+$0x70];
	s25 =	sadd.s32 $0x100, s25;
	[tilespmem:s26+$0x10] =	vst v0  }
0x47: {  	v0 =	vld [tilespmem:s29+$0xFFFFFF90];
	p2 =	slt.u32 s25, $0x1F00;
	[tilespmem:s26+$0x20] =	vst v1  }
0x48: {  	v1 =	vld [tilespmem:s29+$0xFFFFFFA0];
	[tilespmem:s26+$0x30] =	vst v2  }
0x49: {  	v2 =	vld [tilespmem:s29+$0xFFFFFFB0];
	[tilespmem:s26+$0x40] =	vst v3  }
0x4a: {  	v3 =	vld [tilespmem:s29+$0xFFFFFFC0];
	[tilespmem:s26+$0x50] =	vst v4  }
0x4b: {  	v4 =	vld [tilespmem:s29+$0xFFFFFFD0];
	[tilespmem:s26+$0x60] =	vst v5  }
0x4c: {  	v5 =	vld [tilespmem:s29+$0xFFFFFFE0]  }
0x4d: {  	v7 =	vld [tilespmem:s29+$0xFFFFFFF0]  }
0x4e: {  	v6 =	vld.idx.msk [tilespmem:v6+s3+$0x0], $0xffff  }
0x4f: {  	v8 =	vld [tilespmem:s29+$0x0]  }
0x50: {  	v9 =	vld [tilespmem:s29+$0x10]  }
0x51: {  	v10 =	vld [tilespmem:s29+$0x20]  }
0x52: {  	v11 =	vld [tilespmem:s29+$0x30]  }
0x53: {  	s26 =	sadd.s32 $0x100, s26;
	v12 =	vld [tilespmem:s29+$0x40]  }
0x54: {  	v13 =	vld [tilespmem:s29+$0x50];
	[tilespmem:s26+$0x70] =	vst v6  }
0x55: {  	v6 =	vld [tilespmem:s29+$0x60]  }
0x56: {  	v14 =	vld [tilespmem:s29+$0xFFFFFF80]  }
0x57: {  	v0 =	vld.idx.msk [tilespmem:v0+s3+$0x0], $0xffff  }
0x58: {  	v1 =	vld.idx.msk [tilespmem:v1+s3+$0x0], $0xffff  }
0x59: {  	v2 =	vld.idx.msk [tilespmem:v2+s3+$0x0], $0xffff  }
0x5a: {  	v3 =	vld.idx.msk [tilespmem:v3+s3+$0x0], $0xffff  }
0x5b: {  	v4 =	vld.idx.msk [tilespmem:v4+s3+$0x0], $0xffff  }
0x5c: {  	v5 =	vld.idx.msk [tilespmem:v5+s3+$0x0], $0xffff  }
0x5d: {  	[tilespmem:s26+$0xFFFFFF90] =	vst v0;
	v7 =	vld.idx.msk [tilespmem:v7+s3+$0x0], $0xffff  }
0x5e: {  	v14 =	vld.idx.msk [tilespmem:v14+s3+$0x0], $0xffff;
	[tilespmem:s26+$0xFFFFFFA0] =	vst v1  }
0x5f: {  	[tilespmem:s26+$0xFFFFFFB0] =	vst v2;
	v8 =	vld.idx.msk [tilespmem:v8+s3+$0x0], $0xffff  }
0x60: {  	[tilespmem:s26+$0xFFFFFFC0] =	vst v3;
	v0 =	vld.idx.msk [tilespmem:v9+s3+$0x0], $0xffff  }
.Ltmp0:
0x61: {  	[tilespmem:s26+$0xFFFFFFD0] =	vst v4;
	v1 =	vld.idx.msk [tilespmem:v10+s3+$0x0], $0xffff;
	(pc) =	sbr.rel @p2 .LBB2_3-.Ltmp0, $4  }
0x62: {  	[tilespmem:s26+$0xFFFFFFE0] =	vst v5;
	v2 =	vld.idx.msk [tilespmem:v11+s3+$0x0], $0xffff  }
0x63: {  	[tilespmem:s26+$0xFFFFFFF0] =	vst v7;
	v3 =	vld.idx.msk [tilespmem:v12+s3+$0x0], $0xffff  }
0x64: {  	[tilespmem:s26+$0xFFFFFF80] =	vst v14;
	v4 =	vld.idx.msk [tilespmem:v13+s3+$0x0], $0xffff  }
0x65: {  	s29 =	sadd.s32 $0x100, s29;
	[tilespmem:s26+$0x0] =	vst v8;
	v5 =	vld.idx.msk [tilespmem:v6+s3+$0x0], $0xffff  }
0x66: {  	[tilespmem:s26+$0x10] =	vst v0  }
0x67: {  	[tilespmem:s26+$0x20] =	vst v1  }
0x68: {  	s25 =	sshll.u32 s24, $0x13;
	[tilespmem:s26+$0x30] =	vst v2  }
0x69: {  	s25 =	sadd.s32 s8, s25;
	[tilespmem:s26+$0x40] =	vst v3  }
0x6a: {  	s25 =	sshrl.u32 s25, $0x3;
	[tilespmem:s26+$0x50] =	vst v4  }
0x6b: {  	s30 =	sadd.s32 s1, s25;
	[tilespmem:s26+$0x60] =	vst v5  }
0x6c: {  	[hbm4b:s30+s16] =	stream.strided.scatter [tilespmem:s18], [sflag:$0x2], $0x2000, s17, s16, $0x38;
	[tilespmem:$0x1EAA0] =	vst v63  }
0x6d: {  	s26 =	simm.s32 @!p0 $0x1;
	[bflag:$0x0] =	sbarrier.arrive @p0 $0xFFFF  }
0x6e: {  	_ =	swait.ge @!p0 [sflag:s26], $0x400  }
0x6f: {  	s28 =	smin.u32 @!p0 s28, $0x61;
	[sflag:s26] =	ssyncset.done @!p0 $0x0  }
0x70: {  	[sflag:s26] =	ssyncadd.s32 @!p0 $0xFFFFFC00;
	s26 =	sshll.u32 @!p0 s28, $0xA  }
0x71: {  	s28 =	simm.s32 @!p0 $0x1C01;
	[bflag:$0x0] =	sbarrier.arrive @!p0 $0xFFFF;
	s26 =	sadd.s32 @!p0 s26, s9  }
0x72: {  	[spmem:s13], [sflag:s28] =	dma.local @!p0 [hbm:s26], $0x400  }
0x73: {  	[tilespmem:s15], [sflag:$0x4] =	stream.linear.gather [spmem:s6], $0x2000, $0x38;
	[tilespmem:$0x1EAA0] =	vst v63  }
0x74: {  	_ =	swait.ge [sflag:s12], $0x2000  }
0x75: {  	[sflag:s12] =	ssyncset.done $0x0  }
0x76: {  	s26 =	simm.s32 @!p1 $0x3;
	[sflag:s12] =	ssyncadd.s32 $0xFFFFE000  }
0x77: {  	_ =	swait.ge @!p1 [sflag:s26], $0x2000  }
0x78: {  	[sflag:s26] =	ssyncset.done @!p1 $0x0  }
0x79: {  	s31 =	simm.s32 $0x18720;
	[sflag:s26] =	ssyncadd.s32 @!p1 $0xFFFFE000  }
0x7a: {  	v0 =	vld [tilespmem:s31+$0x70]  }
0x7b: {  	v1 =	vld [tilespmem:s31+$0xFFFFFF90]  }
0x7c: {  	v2 =	vld [tilespmem:s31+$0xFFFFFFA0]  }
0x7d: {  	v3 =	vld [tilespmem:s31+$0xFFFFFFB0]  }
0x7e: {  	v4 =	vld [tilespmem:s31+$0xFFFFFFC0]  }
0x7f: {  	v5 =	vld [tilespmem:s31+$0xFFFFFFD0]  }
0x80: {  	v6 =	vld [tilespmem:s31+$0xFFFFFFE0]  }
0x81: {  	v7 =	vld [tilespmem:s31+$0xFFFFFFF0]  }
0x82: {  	v8 =	vld [tilespmem:s31+$0x0]  }
0x83: {  	v9 =	vld [tilespmem:s31+$0x10]  }
0x84: {  	v10 =	vld [tilespmem:s31+$0x20]  }
0x85: {  	v11 =	vld [tilespmem:s31+$0x30]  }
0x86: {  	v12 =	vld [tilespmem:s31+$0x40]  }
0x87: {  	v13 =	vld [tilespmem:s31+$0x50]  }
0x88: {  	v14 =	vld [tilespmem:s31+$0x60]  }
0x89: {  	v15 =	vld [tilespmem:s31+$0xFFFFFF80]  }
0x8a: {  	v0 =	vld.idx.msk [tilespmem:v0+s3+$0x0], $0xffff  }
0x8b: {  	v1 =	vld.idx.msk [tilespmem:v1+s3+$0x0], $0xffff  }
0x8c: {  	v2 =	vld.idx.msk [tilespmem:v2+s3+$0x0], $0xffff  }
0x8d: {  	v3 =	vld.idx.msk [tilespmem:v3+s3+$0x0], $0xffff  }
0x8e: {  	v4 =	vld.idx.msk [tilespmem:v4+s3+$0x0], $0xffff  }
0x8f: {  	s26 =	simm.s32 $0x1C790;
	v5 =	vld.idx.msk [tilespmem:v5+s3+$0x0], $0xffff  }
0x90: {  	v6 =	vld.idx.msk [tilespmem:v6+s3+$0x0], $0xffff;
	[tilespmem:s26+$0x0] =	vst v0  }
0x91: {  	v7 =	vld.idx.msk [tilespmem:v7+s3+$0x0], $0xffff;
	[tilespmem:s26+$0xFFFFFF20] =	vst v1  }
0x92: {  	v15 =	vld.idx.msk [tilespmem:v15+s3+$0x0], $0xffff;
	[tilespmem:s26+$0xFFFFFF30] =	vst v2  }
0x93: {  	v8 =	vld.idx.msk [tilespmem:v8+s3+$0x0], $0xffff;
	[tilespmem:s26+$0xFFFFFF40] =	vst v3  }
0x94: {  	[tilespmem:s26+$0xFFFFFF50] =	vst v4;
	v0 =	vld.idx.msk [tilespmem:v9+s3+$0x0], $0xffff  }
0x95: {  	[tilespmem:s26+$0xFFFFFF60] =	vst v5;
	v1 =	vld.idx.msk [tilespmem:v10+s3+$0x0], $0xffff  }
0x96: {  	[tilespmem:s26+$0xFFFFFF70] =	vst v6;
	v2 =	vld.idx.msk [tilespmem:v11+s3+$0x0], $0xffff  }
0x97: {  	[tilespmem:s26+$0xFFFFFF80] =	vst v7;
	v3 =	vld.idx.msk [tilespmem:v12+s3+$0x0], $0xffff  }
0x98: {  	[tilespmem:s26+$0xFFFFFF10] =	vst v15;
	v4 =	vld.idx.msk [tilespmem:v13+s3+$0x0], $0xffff  }
0x99: {  	s29 =	simm.s32 $0x18820;
	s28 =	simm.s32 $0x0;
	[tilespmem:s26+$0xFFFFFF90] =	vst v8;
	v5 =	vld.idx.msk [tilespmem:v14+s3+$0x0], $0xffff  }
.LBB2_5:
0x9a: {  	v6 =	vld [tilespmem:s29+$0x70];
	s28 =	sadd.s32 $0x100, s28;
	[tilespmem:s26+$0xFFFFFFA0] =	vst v0  }
0x9b: {  	v0 =	vld [tilespmem:s29+$0xFFFFFF90];
	p1 =	slt.u32 s28, $0x1F00;
	[tilespmem:s26+$0xFFFFFFB0] =	vst v1  }
0x9c: {  	v1 =	vld [tilespmem:s29+$0xFFFFFFA0];
	[tilespmem:s26+$0xFFFFFFC0] =	vst v2  }
0x9d: {  	v2 =	vld [tilespmem:s29+$0xFFFFFFB0];
	[tilespmem:s26+$0xFFFFFFD0] =	vst v3  }
0x9e: {  	v3 =	vld [tilespmem:s29+$0xFFFFFFC0];
	[tilespmem:s26+$0xFFFFFFE0] =	vst v4  }
0x9f: {  	v4 =	vld [tilespmem:s29+$0xFFFFFFD0];
	[tilespmem:s26+$0xFFFFFFF0] =	vst v5  }
0xa0: {  	v5 =	vld [tilespmem:s29+$0xFFFFFFE0]  }
0xa1: {  	v7 =	vld [tilespmem:s29+$0xFFFFFFF0]  }
0xa2: {  	v6 =	vld.idx.msk [tilespmem:v6+s3+$0x0], $0xffff  }
0xa3: {  	v8 =	vld [tilespmem:s29+$0x0]  }
0xa4: {  	v9 =	vld [tilespmem:s29+$0x10]  }
0xa5: {  	v10 =	vld [tilespmem:s29+$0x20]  }
0xa6: {  	v11 =	vld [tilespmem:s29+$0x30]  }
0xa7: {  	s26 =	sadd.s32 $0x100, s26;
	v12 =	vld [tilespmem:s29+$0x40]  }
0xa8: {  	v13 =	vld [tilespmem:s29+$0x50];
	[tilespmem:s26+$0x0] =	vst v6  }
0xa9: {  	v6 =	vld [tilespmem:s29+$0x60]  }
0xaa: {  	v14 =	vld [tilespmem:s29+$0xFFFFFF80]  }
0xab: {  	v0 =	vld.idx.msk [tilespmem:v0+s3+$0x0], $0xffff  }
0xac: {  	v1 =	vld.idx.msk [tilespmem:v1+s3+$0x0], $0xffff  }
0xad: {  	v2 =	vld.idx.msk [tilespmem:v2+s3+$0x0], $0xffff  }
0xae: {  	v3 =	vld.idx.msk [tilespmem:v3+s3+$0x0], $0xffff  }
0xaf: {  	v4 =	vld.idx.msk [tilespmem:v4+s3+$0x0], $0xffff  }
0xb0: {  	v5 =	vld.idx.msk [tilespmem:v5+s3+$0x0], $0xffff  }
0xb1: {  	[tilespmem:s26+$0xFFFFFF20] =	vst v0;
	v7 =	vld.idx.msk [tilespmem:v7+s3+$0x0], $0xffff  }
0xb2: {  	v14 =	vld.idx.msk [tilespmem:v14+s3+$0x0], $0xffff;
	[tilespmem:s26+$0xFFFFFF30] =	vst v1  }
0xb3: {  	[tilespmem:s26+$0xFFFFFF40] =	vst v2;
	v8 =	vld.idx.msk [tilespmem:v8+s3+$0x0], $0xffff  }
0xb4: {  	[tilespmem:s26+$0xFFFFFF50] =	vst v3;
	v0 =	vld.idx.msk [tilespmem:v9+s3+$0x0], $0xffff  }
.Ltmp1:
0xb5: {  	[tilespmem:s26+$0xFFFFFF60] =	vst v4;
	v1 =	vld.idx.msk [tilespmem:v10+s3+$0x0], $0xffff;
	(pc) =	sbr.rel @p1 .LBB2_5-.Ltmp1, $4  }
0xb6: {  	[tilespmem:s26+$0xFFFFFF70] =	vst v5;
	v2 =	vld.idx.msk [tilespmem:v11+s3+$0x0], $0xffff  }
0xb7: {  	[tilespmem:s26+$0xFFFFFF80] =	vst v7;
	v3 =	vld.idx.msk [tilespmem:v12+s3+$0x0], $0xffff  }
0xb8: {  	[tilespmem:s26+$0xFFFFFF10] =	vst v14;
	v4 =	vld.idx.msk [tilespmem:v13+s3+$0x0], $0xffff  }
0xb9: {  	s29 =	sadd.s32 $0x100, s29;
	[tilespmem:s26+$0xFFFFFF90] =	vst v8;
	v5 =	vld.idx.msk [tilespmem:v6+s3+$0x0], $0xffff  }
0xba: {  	[tilespmem:s26+$0xFFFFFFA0] =	vst v0  }
0xbb: {  	[tilespmem:s26+$0xFFFFFFB0] =	vst v1  }
0xbc: {  	[tilespmem:s26+$0xFFFFFFC0] =	vst v2  }
0xbd: {  	[tilespmem:s26+$0xFFFFFFD0] =	vst v3  }
0xbe: {  	[tilespmem:s26+$0xFFFFFFE0] =	vst v4  }
0xbf: {  	s25 =	sadd.s32 s25, s10;
	s24 =	sadd.s32 $0x1, s24;
	[tilespmem:s26+$0xFFFFFFF0] =	vst v5  }
0xc0: {  	[hbm4b:s25+s16] =	stream.strided.scatter [tilespmem:s19], [sflag:$0x3], $0x2000, s17, s16, $0x38;
	[tilespmem:$0x1EAA0] =	vst v63  }
0xc1: {  	p1 =	sne.s32 s24, $0x32;
	s25 =	simm.s32 @!p0 $0x1  }
.Ltmp2:
0xc2: {  	_ =	swait.ge @!p0 [sflag:s25], $0x400;
	(pc) =	sbr.rel @p1 .LBB2_2-.Ltmp2, $3  }
0xc3: {  	[sflag:s25] =	ssyncset.done @!p0 $0x0  }
0xc4: {  	[sflag:s25] =	ssyncadd.s32 @!p0 $0xFFFFFC00  }
0xc5: {  	[bflag:$0x0] =	sbarrier.arrive $0xFFFF;
	_ =	sdelay $0x1  }
0xc6: {  	s22 =	sadd.s32 $0x1, s22  }
0xc7: {  	_ =	swait.ge [sflag:s20], $0x2000;
	p1 =	sne.s32 s22, s11  }
.Ltmp3:
0xc8: {  	[sflag:s20] =	ssyncset.done $0x0;
	(pc) =	sbr.rel @p1 .LBB2_1-.Ltmp3, $4  }
0xc9: {  	[sflag:s20] =	ssyncadd.s32 $0xFFFFE000  }
0xca: {  	_ =	swait.ge [sflag:s21], $0x2000  }
0xcb: {  	[sflag:s21] =	ssyncset.done $0x0  }
0xcc: {  	[sflag:s21] =	ssyncadd.s32 $0xFFFFE000  }
0xcd: {  	_ =	sfence.sel $0x180000  }
0xce: {  	[bflag:$0x0] =	sbarrier.arrive $0xFFFF  }
0xcf: {  	_ =	strace $0x90000047  }
0xd0: {  	s0 =	sadd.s32 @!p0 $0x100000, s0;
	[bflag:$0x2] =	sbarrier.arrive $0xFFFF  }
0xd1: {  	[sflag:s0] =	ssyncadd.tile.s32 @!p0 $0x1;
	_ =	shalt  }
.Lfunc_end2:
_tile_overlayer_lowered:
.L_overlay_start_2:
0xd2: {  	(tag) =	ssettag $0x2  }
0xd3: {  	s0 =	rddreg [dreg:$0x0];
	s2 =	stileid.u32  }
0xd4: {  	s1 =	rddreg [dreg:$0x1];
	p0 =	sne.s32 s2, $0x0  }
0xd5: {  	s3 =	rddreg [dreg:$0x2];
	[bflag:$0x3] =	sbarrier.arrive $0xFFFF;
	s2 =	simm.s32 @!p0 $0x1C04  }
0xd6: {  	[timem:s3], [sflag:s2] =	dma.local @!p0 [hbm:s0], s1  }
0xd7: {  	s0 =	simm.s32 @!p0 $0x4  }
0xd8: {  	_ =	swait.ge @!p0 [sflag:s0], s1  }
0xd9: {  	s1 =	ssub.s32 @!p0 $0x0, s1;
	[sflag:s0] =	ssyncset.done @!p0 $0x0  }
0xda: {  	[sflag:s0] =	ssyncadd.s32 @!p0 s1  }
0xdb: {  	[bflag:$0x3] =	sbarrier.arrive $0xFFFF  }
0xdc: {  	_ =	shalt  }

</sc_bundles>
